<compile_context>
chip_gen: v7x
topology: tpu7x:2x2x1
jax: 0.10.2.dev20260603
libtpu: 0.0.44.dev20260713+nightly
codegen_flags: <defaults>
</compile_context>

<pallas_src>
import functools

import jax
import jax.numpy as jnp
from jax import lax
from jax.experimental import pallas as pl
from jax.experimental.pallas import tpu as pltpu
from jax.experimental.pallas import tpu_sc as plsc

_B, _S, _D = 4, 577, 768
_H, _HD = 12, 64
_P, _KN = 576, 32
_MLP = 3072
_EPS = 1e-5
_SCALE = _HD ** -0.5

_NW = 32
_RPW = _P // _NW
_RS = 584
_LOCF = ((_RPW + 1) * _RS + 15) // 16 * 16


_REG = _RPW * _RS
_NCH = 6
_CHW = _P * _KN // _NW // _NCH


def _sc_mask_body(routes_hbm, mask_hbm, routes_v, idx_v, ones_v, big_v,
                  m_shared, sem):
    cid = lax.axis_index("c")
    sid = lax.axis_index("s")
    wid = sid * 2 + cid
    base_p = wid * _RPW
    roff = sid * _REG

    routes_dma = pltpu.async_copy(
        routes_hbm.at[pl.ds(base_p * _KN, _RPW * _KN)], routes_v, sem)

    def _zero(i, _):
        big_v[pl.ds(i * 16, 16)] = jnp.zeros((16,), jnp.float32)
        return 0
    lax.fori_loop(0, _REG // 16, _zero, 0)
    for j in range(_CHW // 16):
        ones_v[pl.ds(j * 16, 16)] = jnp.ones((16,), jnp.float32)

    zero_dma = pltpu.async_copy(big_v, m_shared.at[pl.ds(roff, _REG)], sem)

    @pl.when(wid == 0)
    def _():
        pltpu.sync_copy(big_v.at[pl.ds(0, _RS)], mask_hbm.at[pl.ds(0, _RS)])

    routes_dma.wait()
    base_vec = jnp.full((16,), roff + 1, jnp.int32)
    for cc in range(_RPW * _KN // 16):
        r = cc * 16 // _KN
        chunk = routes_v[pl.ds(cc * 16, 16)]
        t0 = cc * 16
        idx_v[t0 // _CHW, pl.ds(t0 % _CHW, 16)] = chunk + base_vec + jnp.full(
            (16,), r * _RS, jnp.int32)
    zero_dma.wait()

    scatters = [
        pltpu.async_copy(ones_v, m_shared.at[idx_v.at[j]], sem, add=True)
        for j in range(_NCH)
    ]
    for d in scatters:
        d.wait()

    pltpu.sync_copy(m_shared.at[pl.ds(roff, _REG)], big_v)
    pltpu.sync_copy(big_v, mask_hbm.at[pl.ds((1 + base_p) * _RS, _REG)])


_sc_mask = functools.partial(
    pl.kernel,
    out_type=jax.ShapeDtypeStruct((_S * _RS,), jnp.float32),
    mesh=plsc.VectorSubcoreMesh(core_axis_name="c", subcore_axis_name="s"),
    scratch_types=[
        pltpu.VMEM((_RPW * _KN,), jnp.int32),
        pltpu.VMEM((_NCH, _CHW), jnp.int32),
        pltpu.VMEM((_CHW,), jnp.float32),
        pltpu.VMEM((_REG,), jnp.float32),
        pltpu.VMEM_SHARED((16 * _REG,), jnp.float32),
        pltpu.SemaphoreType.DMA,
    ],
)(_sc_mask_body)


def _ln(x, g, b):
    mu = jnp.mean(x, axis=-1, keepdims=True)
    var = jnp.mean((x - mu) ** 2, axis=-1, keepdims=True)
    return (x - mu) * jax.lax.rsqrt(var + _EPS) * g + b


def _attn_block_kernel(x_ref, m_ref, wqkv_ref, bqkv_ref, wp_ref, bp_ref,
                       g1_ref, be1_ref, g2_ref, be2_ref,
                       x2_ref, xn2_ref, a_scr):
    x = x_ref[0]
    xn = _ln(x, g1_ref[:], be1_ref[:])
    qkv = jnp.dot(xn.astype(jnp.bfloat16), wqkv_ref[:],
                  preferred_element_type=jnp.float32) + bqkv_ref[:]
    m = m_ref[:, :_S]
    ones_col = jnp.ones((_S, 1), jnp.bfloat16)
    for h in range(_H):
        q = (qkv[:, h * _HD:(h + 1) * _HD] * _SCALE).astype(jnp.bfloat16)
        k = qkv[:, _D + h * _HD:_D + (h + 1) * _HD].astype(jnp.bfloat16)
        v = qkv[:, 2 * _D + h * _HD:2 * _D + (h + 1) * _HD].astype(jnp.bfloat16)
        ve = jnp.concatenate([v, ones_col], axis=1)
        sc = jax.lax.dot_general(q, k, (((1,), (1,)), ((), ())),
                                 preferred_element_type=jnp.float32)
        w = (m * jnp.exp(sc)).astype(jnp.bfloat16)
        oe = jnp.dot(w, ve, preferred_element_type=jnp.float32)
        a_scr[:, h * _HD:(h + 1) * _HD] = oe[:, :_HD] / oe[:, _HD:]
        e0 = jnp.exp(sc[0:1, :]).astype(jnp.bfloat16)
        oe0 = jnp.dot(e0, ve, preferred_element_type=jnp.float32)
        a_scr[0:1, h * _HD:(h + 1) * _HD] = oe0[:, :_HD] / oe0[:, _HD:]
    y = (jnp.dot(a_scr[:].astype(jnp.bfloat16), wp_ref[:],
                 preferred_element_type=jnp.float32)
         + bp_ref[:] + x)
    x2_ref[0] = y
    xn2_ref[0] = _ln(y, g2_ref[:], be2_ref[:])


def _mlp_kernel(xn2_ref, w1_ref, b1_ref, w2_ref, b2_ref, x2_ref, o_ref):
    h = jnp.dot(xn2_ref[0].astype(jnp.bfloat16), w1_ref[:],
                preferred_element_type=jnp.float32) + b1_ref[:]
    h = 0.5 * h * (1.0 + jax.lax.erf(h * (2.0 ** -0.5)))
    o_ref[0] = (jnp.dot(h.astype(jnp.bfloat16), w2_ref[:],
                        preferred_element_type=jnp.float32)
                + b2_ref[:] + x2_ref[0])


def kernel(x, routes, Wqkv, bqkv, Wproj, bproj, g1, be1, g2, be2, W1, bm1, W2, bm2):
    f32 = jnp.float32

    Wqkv = Wqkv.astype(jnp.bfloat16)
    Wproj = Wproj.astype(jnp.bfloat16)
    W1 = W1.astype(jnp.bfloat16)
    W2 = W2.astype(jnp.bfloat16)

    g1r = g1.reshape(1, _D)
    be1r = be1.reshape(1, _D)
    g2r = g2.reshape(1, _D)
    be2r = be2.reshape(1, _D)
    bqkvr = bqkv.reshape(1, 3 * _D)
    bprojr = bproj.reshape(1, _D)
    bm1r = bm1.reshape(1, _MLP)
    bm2r = bm2.reshape(1, _D)

    mask = _sc_mask(routes.astype(jnp.int32).reshape(_P * _KN)).reshape(_S, _RS)

    _full = lambda i: (0, 0)
    _vec = lambda i: (0, 0)
    x2, xn2 = pl.pallas_call(
        _attn_block_kernel,
        grid=(_B,),
        in_specs=[
            pl.BlockSpec((1, _S, _D), lambda i: (i, 0, 0)),
            pl.BlockSpec((_S, _RS), _full),
            pl.BlockSpec((_D, 3 * _D), _full),
            pl.BlockSpec((1, 3 * _D), _vec),
            pl.BlockSpec((_D, _D), _full),
            pl.BlockSpec((1, _D), _vec),
            pl.BlockSpec((1, _D), _vec),
            pl.BlockSpec((1, _D), _vec),
            pl.BlockSpec((1, _D), _vec),
            pl.BlockSpec((1, _D), _vec),
        ],
        out_specs=[
            pl.BlockSpec((1, _S, _D), lambda i: (i, 0, 0)),
            pl.BlockSpec((1, _S, _D), lambda i: (i, 0, 0)),
        ],
        out_shape=[
            jax.ShapeDtypeStruct((_B, _S, _D), f32),
            jax.ShapeDtypeStruct((_B, _S, _D), f32),
        ],
        scratch_shapes=[pltpu.VMEM((_S, _D), f32)],
        compiler_params=pltpu.CompilerParams(dimension_semantics=("parallel",)),
    )(x, mask, Wqkv, bqkvr, Wproj, bprojr, g1r, be1r, g2r, be2r)

    out = pl.pallas_call(
        _mlp_kernel,
        grid=(_B,),
        in_specs=[
            pl.BlockSpec((1, _S, _D), lambda i: (i, 0, 0)),
            pl.BlockSpec((_D, _MLP), _full),
            pl.BlockSpec((1, _MLP), _vec),
            pl.BlockSpec((_MLP, _D), _full),
            pl.BlockSpec((1, _D), _vec),
            pl.BlockSpec((1, _S, _D), lambda i: (i, 0, 0)),
        ],
        out_specs=pl.BlockSpec((1, _S, _D), lambda i: (i, 0, 0)),
        out_shape=jax.ShapeDtypeStruct((_B, _S, _D), f32),
        compiler_params=pltpu.CompilerParams(dimension_semantics=("parallel",)),
    )(xn2, W1, bm1r, W2, bm2r, x2)

    return out

# --- scband reference (transcript-rebuilt; emitter-appended) ---
"""Pipeline reference for scband-beans-attention-block-32547262169460 (READ-ONLY COPY).

The authoritative reference and input builder live on the scoring server;
editing this copy changes nothing except your own understanding.
"""

import jax, jax.numpy as jnp
import numpy as np

B, S, D = 4, 577, 768
H = 12
HD = D // H
P = 576
KN = 32
MLP = int(D * 4.0)


def layernorm(x, g, b, eps=1e-5):
    mu = jnp.mean(x, axis=-1, keepdims=True)
    var = jnp.var(x, axis=-1, keepdims=True)
    return (x - mu) / jnp.sqrt(var + eps) * g + b


def setup_inputs(seed: int = 0) -> dict:
    key = jax.random.key(seed)
    ks = jax.random.split(key, 8)
    x = jax.random.normal(ks[0], (B, S, D), dtype=jnp.float32)
    routes = jax.random.randint(ks[1], (P, KN), 0, P)
    Wqkv = jax.random.normal(ks[2], (D, 3 * D), dtype=jnp.float32) * 0.02
    bqkv = jnp.zeros((3 * D,), dtype=jnp.float32)
    Wproj = jax.random.normal(ks[3], (D, D), dtype=jnp.float32) * 0.02
    bproj = jnp.zeros((D,), dtype=jnp.float32)
    g1 = jnp.ones((D,), dtype=jnp.float32)
    be1 = jnp.zeros((D,), dtype=jnp.float32)
    g2 = jnp.ones((D,), dtype=jnp.float32)
    be2 = jnp.zeros((D,), dtype=jnp.float32)
    W1 = jax.random.normal(ks[4], (D, MLP), dtype=jnp.float32) * 0.02
    bm1 = jnp.zeros((MLP,), dtype=jnp.float32)
    W2 = jax.random.normal(ks[5], (MLP, D), dtype=jnp.float32) * 0.02
    bm2 = jnp.zeros((D,), dtype=jnp.float32)
    return {"x": x, "routes": routes, "Wqkv": Wqkv, "bqkv": bqkv, "Wproj": Wproj, "bproj": bproj, "g1": g1, "be1": be1, "g2": g2, "be2": be2, "W1": W1, "bm1": bm1, "W2": W2, "bm2": bm2}


def reference(x, routes, Wqkv, bqkv, Wproj, bproj, g1, be1, g2, be2, W1, bm1, W2, bm2):
    b, s, d = x.shape
    hd = d // H
    scale = hd ** (-0.5)
    xn = layernorm(x, g1, be1)
    qkv = (xn @ Wqkv + bqkv).reshape(b, s, 3, H, hd).transpose(2, 0, 3, 1, 4)
    Q, K, V = qkv[0], qkv[1], qkv[2]
    Q_cls, Q_p = Q[:, :, :1, :], Q[:, :, 1:, :]
    # dense CLS attention over full sequence
    sc = jnp.einsum('bhqd,bhkd->bhqk', Q_cls, K) * scale
    ac = jax.nn.softmax(sc, axis=-1)
    oc = jnp.einsum('bhqk,bhkd->bhqd', ac, V)
    # sparse patch attention via gathered routes (shifted by 1 for CLS)
    rs = routes + 1  # [P, KN], values in [1, S-1]
    Kg = jnp.take(K, rs, axis=2)  # [b, H, P, KN, hd]
    Vg = jnp.take(V, rs, axis=2)
    sp = jnp.einsum('bhpd,bhpkd->bhpk', Q_p, Kg) * scale
    ap = jax.nn.softmax(sp, axis=-1)
    op = jnp.einsum('bhpk,bhpkd->bhpd', ap, Vg)
    out = jnp.concatenate([oc, op], axis=2)
    out = out.transpose(0, 2, 1, 3).reshape(b, s, d)
    out = out @ Wproj + bproj
    x = x + out
    xn2 = layernorm(x, g2, be2)
    h = jax.nn.gelu(xn2 @ W1 + bm1, approximate=False)
    x = x + (h @ W2 + bm2)
    return x

if __name__ == "__main__":
    import jax
    _d = setup_inputs()
    print(jax.jit(kernel)(*tuple(_d.values())))

</pallas_src>

<mosaic_0001>
#map = affine_map<(d0, d1) -> (0)>
module attributes {stable_mosaic.version = 14 : i64} {
  func.func @_sc_mask_body(%arg0: i32, %arg1: i32, %arg2: memref<18432xi32, #tpu.memory_space<hbm>>, %arg3: memref<336968xf32, #tpu.memory_space<hbm>>, %arg4: memref<576xi32, #tpu.memory_space<vmem>>, %arg5: memref<6x96xi32, #tpu.memory_space<vmem>>, %arg6: memref<96xf32, #tpu.memory_space<vmem>>, %arg7: memref<10512xf32, #tpu.memory_space<vmem>>, %arg8: memref<168192xf32, #tpu.memory_space<vmem_shared>>, %arg9: memref<!tpu.dma_semaphore, #tpu.memory_space<semaphore_mem>>) attributes {dimension_semantics = [#tpu.dimension_semantics<core_parallel>, #tpu.dimension_semantics<subcore_parallel>], iteration_bounds = array<i64: 2, 16>, scalar_prefetch = 0 : i64, scratch_operands = 6 : i64, tpu.core_type = #tpu.core_type<sc_vector_subcore>, window_params = [{transform_indices = #map}, {transform_indices = #map}]} {
    %mul3A = arith.constant 2 : i32
    %mul3A_0 = arith.muli %arg1, %mul3A : i32
    %add3A = arith.addi %mul3A_0, %arg0 : i32
    %mul3A_1 = arith.constant 18 : i32
    %mul3A_2 = arith.muli %add3A, %mul3A_1 : i32
    %mul3A_3 = arith.constant 10512 : i32
    %mul3A_4 = arith.muli %arg1, %mul3A_3 : i32
    %mul3A_5 = arith.constant 32 : i32
    %mul3A_6 = arith.muli %mul3A_2, %mul3A_5 : i32
    %dma_start3A = tpu.memref_slice %arg2[%mul3A_6] : memref<18432xi32, #tpu.memory_space<hbm>> -> memref<576xi32, #tpu.memory_space<hbm>>
    %dma_start3A_7 = tpu.memref_slice %arg2[%mul3A_6] : memref<18432xi32, #tpu.memory_space<hbm>> -> memref<576xi32, #tpu.memory_space<hbm>>
    tpu.enqueue_dma source(%dma_start3A_7 : memref<576xi32, #tpu.memory_space<hbm>>) target(%arg4 : memref<576xi32, #tpu.memory_space<vmem>>) target_semaphore(%arg9 : memref<!tpu.dma_semaphore, #tpu.memory_space<semaphore_mem>>)
    %scan3A = arith.constant 0 : i32
    %scan3A_8 = arith.constant 0 : i32
    %scan3A_9 = arith.constant 657 : i32
    %scan3A_10 = arith.addi %scan3A_8, %scan3A_9 : i32
    %scan3A_11 = arith.constant 1 : i32
    %scan3A_12 = scf.for %scan3A_601 = %scan3A_8 to %scan3A_10 step %scan3A_11 iter_args(%scan3A_602 = %scan3A) -> (i32)  : i32 {
      %broadcast_in_dim3A_603 = arith.constant 0.000000e+00 : f32
      %broadcast_in_dim3A_604 = vector.broadcast %broadcast_in_dim3A_603 : f32 to vector<16xf32>
      %mul3A_605 = arith.constant 16 : i32
      %mul3A_606 = arith.muli %scan3A_601, %mul3A_605 : i32
      %swap3A_607 = arith.index_cast %mul3A_606 : i32 to index
      %swap3A_608 = tpu.vector_load %arg7[%swap3A_607] {strides = array<i32>} : memref<10512xf32, #tpu.memory_space<vmem>>, vector<16xf32>,
      %swap3A_609 = vector.shape_cast %swap3A_608 : vector<16xf32> to vector<16xf32>
      %swap3A_610 = vector.shape_cast %broadcast_in_dim3A_604 : vector<16xf32> to vector<16xf32>
      tpu.vector_store %arg7[%swap3A_607], %swap3A_610 {strides = array<i32>} : memref<10512xf32, #tpu.memory_space<vmem>>, vector<16xf32>,
      %scan3A_611 = arith.constant 0 : i32
      scf.yield %scan3A_611 : i32
    }
    %scan3A_13 = arith.constant 657 : i32
    %broadcast_in_dim3A = arith.constant 1.000000e+00 : f32
    %broadcast_in_dim3A_14 = vector.broadcast %broadcast_in_dim3A : f32 to vector<16xf32>
    %swap3A = arith.constant 0 : index
    %swap3A_15 = tpu.vector_load %arg6[%swap3A] {strides = array<i32>} : memref<96xf32, #tpu.memory_space<vmem>>, vector<16xf32>,
    %swap3A_16 = vector.shape_cast %swap3A_15 : vector<16xf32> to vector<16xf32>
    %swap3A_17 = vector.shape_cast %broadcast_in_dim3A_14 : vector<16xf32> to vector<16xf32>
    tpu.vector_store %arg6[%swap3A], %swap3A_17 {strides = array<i32>} : memref<96xf32, #tpu.memory_space<vmem>>, vector<16xf32>,
    %broadcast_in_dim3A_18 = arith.constant 1.000000e+00 : f32
    %broadcast_in_dim3A_19 = vector.broadcast %broadcast_in_dim3A_18 : f32 to vector<16xf32>
    %swap3A_20 = arith.constant 16 : index
    %swap3A_21 = tpu.vector_load %arg6[%swap3A_20] {strides = array<i32>} : memref<96xf32, #tpu.memory_space<vmem>>, vector<16xf32>,
    %swap3A_22 = vector.shape_cast %swap3A_21 : vector<16xf32> to vector<16xf32>
    %swap3A_23 = vector.shape_cast %broadcast_in_dim3A_19 : vector<16xf32> to vector<16xf32>
    tpu.vector_store %arg6[%swap3A_20], %swap3A_23 {strides = array<i32>} : memref<96xf32, #tpu.memory_space<vmem>>, vector<16xf32>,
    %broadcast_in_dim3A_24 = arith.constant 1.000000e+00 : f32
    %broadcast_in_dim3A_25 = vector.broadcast %broadcast_in_dim3A_24 : f32 to vector<16xf32>
    %swap3A_26 = arith.constant 32 : index
    %swap3A_27 = tpu.vector_load %arg6[%swap3A_26] {strides = array<i32>} : memref<96xf32, #tpu.memory_space<vmem>>, vector<16xf32>,
    %swap3A_28 = vector.shape_cast %swap3A_27 : vector<16xf32> to vector<16xf32>
    %swap3A_29 = vector.shape_cast %broadcast_in_dim3A_25 : vector<16xf32> to vector<16xf32>
    tpu.vector_store %arg6[%swap3A_26], %swap3A_29 {strides = array<i32>} : memref<96xf32, #tpu.memory_space<vmem>>, vector<16xf32>,
    %broadcast_in_dim3A_30 = arith.constant 1.000000e+00 : f32
    %broadcast_in_dim3A_31 = vector.broadcast %broadcast_in_dim3A_30 : f32 to vector<16xf32>
    %swap3A_32 = arith.constant 48 : index
    %swap3A_33 = tpu.vector_load %arg6[%swap3A_32] {strides = array<i32>} : memref<96xf32, #tpu.memory_space<vmem>>, vector<16xf32>,
    %swap3A_34 = vector.shape_cast %swap3A_33 : vector<16xf32> to vector<16xf32>
    %swap3A_35 = vector.shape_cast %broadcast_in_dim3A_31 : vector<16xf32> to vector<16xf32>
    tpu.vector_store %arg6[%swap3A_32], %swap3A_35 {strides = array<i32>} : memref<96xf32, #tpu.memory_space<vmem>>, vector<16xf32>,
    %broadcast_in_dim3A_36 = arith.constant 1.000000e+00 : f32
    %broadcast_in_dim3A_37 = vector.broadcast %broadcast_in_dim3A_36 : f32 to vector<16xf32>
    %swap3A_38 = arith.constant 64 : index
    %swap3A_39 = tpu.vector_load %arg6[%swap3A_38] {strides = array<i32>} : memref<96xf32, #tpu.memory_space<vmem>>, vector<16xf32>,
    %swap3A_40 = vector.shape_cast %swap3A_39 : vector<16xf32> to vector<16xf32>
    %swap3A_41 = vector.shape_cast %broadcast_in_dim3A_37 : vector<16xf32> to vector<16xf32>
    tpu.vector_store %arg6[%swap3A_38], %swap3A_41 {strides = array<i32>} : memref<96xf32, #tpu.memory_space<vmem>>, vector<16xf32>,
    %broadcast_in_dim3A_42 = arith.constant 1.000000e+00 : f32
    %broadcast_in_dim3A_43 = vector.broadcast %broadcast_in_dim3A_42 : f32 to vector<16xf32>
    %swap3A_44 = arith.constant 80 : index
    %swap3A_45 = tpu.vector_load %arg6[%swap3A_44] {strides = array<i32>} : memref<96xf32, #tpu.memory_space<vmem>>, vector<16xf32>,
    %swap3A_46 = vector.shape_cast %swap3A_45 : vector<16xf32> to vector<16xf32>
    %swap3A_47 = vector.shape_cast %broadcast_in_dim3A_43 : vector<16xf32> to vector<16xf32>
    tpu.vector_store %arg6[%swap3A_44], %swap3A_47 {strides = array<i32>} : memref<96xf32, #tpu.memory_space<vmem>>, vector<16xf32>,
    %dma_start3A_48 = tpu.memref_slice %arg8[%mul3A_4] : memref<168192xf32, #tpu.memory_space<vmem_shared>> -> memref<10512xf32, #tpu.memory_space<vmem_shared>>
    %dma_start3A_49 = tpu.memref_slice %arg8[%mul3A_4] : memref<168192xf32, #tpu.memory_space<vmem_shared>> -> memref<10512xf32, #tpu.memory_space<vmem_shared>>
    tpu.enqueue_dma source(%arg7 : memref<10512xf32, #tpu.memory_space<vmem>>) target(%dma_start3A_49 : memref<10512xf32, #tpu.memory_space<vmem_shared>>) target_semaphore(%arg9 : memref<!tpu.dma_semaphore, #tpu.memory_space<semaphore_mem>>)
    %eq3A = arith.constant 0 : i32
    %eq3A_50 = arith.cmpi eq, %add3A, %eq3A : i32
    %convert_element_type3A = arith.extui %eq3A_50 : i1 to i32
    %cond3A = arith.constant 0 : i32
    %cond3A_51 = arith.cmpi ne, %convert_element_type3A, %cond3A : i32
    scf.if %cond3A_51 {
      "tpu.region"() ({
        %run_scoped3A = tpu.sem_alloc : memref<!tpu.dma_semaphore, #tpu.memory_space<semaphore_mem>>
        %dma_start3A_601 = arith.constant 0 : i32
        %dma_start3A_602 = tpu.memref_slice %arg7[%dma_start3A_601] : memref<10512xf32, #tpu.memory_space<vmem>> -> memref<584xf32, #tpu.memory_space<vmem>>
        %dma_start3A_603 = arith.constant 0 : i32
        %dma_start3A_604 = tpu.memref_slice %arg3[%dma_start3A_603] : memref<336968xf32, #tpu.memory_space<hbm>> -> memref<584xf32, #tpu.memory_space<hbm>>
        %dma_start3A_605 = arith.constant 0 : i32
        %dma_start3A_606 = tpu.memref_slice %arg3[%dma_start3A_605] : memref<336968xf32, #tpu.memory_space<hbm>> -> memref<584xf32, #tpu.memory_space<hbm>>
        %dma_start3A_607 = arith.constant 0 : i32
        %dma_start3A_608 = tpu.memref_slice %arg7[%dma_start3A_607] : memref<10512xf32, #tpu.memory_space<vmem>> -> memref<584xf32, #tpu.memory_space<vmem>>
        tpu.enqueue_dma source(%dma_start3A_608 : memref<584xf32, #tpu.memory_space<vmem>>) target(%dma_start3A_606 : memref<584xf32, #tpu.memory_space<hbm>>) target_semaphore(%run_scoped3A : memref<!tpu.dma_semaphore, #tpu.memory_space<semaphore_mem>>)
        %dma_wait3A_609 = arith.constant 0 : i32
        %dma_wait3A_610 = tpu.memref_slice %arg7[%dma_wait3A_609] : memref<10512xf32, #tpu.memory_space<vmem>> -> memref<584xf32, #tpu.memory_space<vmem>>
        %dma_wait3A_611 = arith.constant 0 : i32
        %dma_wait3A_612 = tpu.memref_slice %arg3[%dma_wait3A_611] : memref<336968xf32, #tpu.memory_space<hbm>> -> memref<584xf32, #tpu.memory_space<hbm>>
        %dma_wait3A_613 = arith.constant 0 : i32
        %dma_wait3A_614 = tpu.memref_slice %arg3[%dma_wait3A_613] : memref<336968xf32, #tpu.memory_space<hbm>> -> memref<584xf32, #tpu.memory_space<hbm>>
        %dma_wait3A_615 = arith.constant 0 : i32
        %dma_wait3A_616 = tpu.memref_slice %arg7[%dma_wait3A_615] : memref<10512xf32, #tpu.memory_space<vmem>> -> memref<584xf32, #tpu.memory_space<vmem>>
        tpu.wait_dma2 semaphore(%run_scoped3A : memref<!tpu.dma_semaphore, #tpu.memory_space<semaphore_mem>>) src(%dma_wait3A_616 : memref<584xf32, #tpu.memory_space<vmem>>) dst(%dma_wait3A_614 : memref<584xf32, #tpu.memory_space<hbm>>)
        tpu.yield
      }) : () -> ()
    } else {
    }
    %dma_wait3A = tpu.memref_slice %arg2[%mul3A_6] : memref<18432xi32, #tpu.memory_space<hbm>> -> memref<576xi32, #tpu.memory_space<hbm>>
    %dma_wait3A_52 = tpu.memref_slice %arg2[%mul3A_6] : memref<18432xi32, #tpu.memory_space<hbm>> -> memref<576xi32, #tpu.memory_space<hbm>>
    tpu.wait_dma2 semaphore(%arg9 : memref<!tpu.dma_semaphore, #tpu.memory_space<semaphore_mem>>) src(%dma_wait3A_52 : memref<576xi32, #tpu.memory_space<hbm>>) dst(%arg4 : memref<576xi32, #tpu.memory_space<vmem>>)
    %add3A_53 = arith.constant 1 : i32
    %add3A_54 = arith.addi %mul3A_4, %add3A_53 : i32
    %broadcast_in_dim3A_55 = vector.broadcast %add3A_54 : i32 to vector<16xi32>
    %get3A = arith.constant 0 : index
    %get3A_56 = tpu.vector_load %arg4[%get3A] {strides = array<i32>} : memref<576xi32, #tpu.memory_space<vmem>>, vector<16xi32>,
    %get3A_57 = vector.shape_cast %get3A_56 : vector<16xi32> to vector<16xi32>
    %add3A_58 = arith.addi %get3A_57, %broadcast_in_dim3A_55 : vector<16xi32>
    %broadcast_in_dim3A_59 = arith.constant 0 : i32
    %broadcast_in_dim3A_60 = vector.broadcast %broadcast_in_dim3A_59 : i32 to vector<16xi32>
    %add3A_61 = arith.addi %add3A_58, %broadcast_in_dim3A_60 : vector<16xi32>
    %swap3A_62 = arith.constant 0 : i32
    %swap3A_63 = arith.index_cast %swap3A_62 : i32 to index
    %swap3A_64 = arith.constant 0 : index
    %swap3A_65 = tpu.vector_load %arg5[%swap3A_63, %swap3A_64] {strides = array<i32>} : memref<6x96xi32, #tpu.memory_space<vmem>>, vector<1x16xi32>,
    %swap3A_66 = vector.shape_cast %swap3A_65 : vector<1x16xi32> to vector<16xi32>
    %swap3A_67 = vector.shape_cast %add3A_61 : vector<16xi32> to vector<1x16xi32>
    tpu.vector_store %arg5[%swap3A_63, %swap3A_64], %swap3A_67 {strides = array<i32>} : memref<6x96xi32, #tpu.memory_space<vmem>>, vector<1x16xi32>,
    %get3A_68 = arith.constant 16 : index
    %get3A_69 = tpu.vector_load %arg4[%get3A_68] {strides = array<i32>} : memref<576xi32, #tpu.memory_space<vmem>>, vector<16xi32>,
    %get3A_70 = vector.shape_cast %get3A_69 : vector<16xi32> to vector<16xi32>
    %add3A_71 = arith.addi %get3A_70, %broadcast_in_dim3A_55 : vector<16xi32>
    %broadcast_in_dim3A_72 = arith.constant 0 : i32
    %broadcast_in_dim3A_73 = vector.broadcast %broadcast_in_dim3A_72 : i32 to vector<16xi32>
    %add3A_74 = arith.addi %add3A_71, %broadcast_in_dim3A_73 : vector<16xi32>
    %swap3A_75 = arith.constant 0 : i32
    %swap3A_76 = arith.index_cast %swap3A_75 : i32 to index
    %swap3A_77 = arith.constant 16 : index
    %swap3A_78 = tpu.vector_load %arg5[%swap3A_76, %swap3A_77] {strides = array<i32>} : memref<6x96xi32, #tpu.memory_space<vmem>>, vector<1x16xi32>,
    %swap3A_79 = vector.shape_cast %swap3A_78 : vector<1x16xi32> to vector<16xi32>
    %swap3A_80 = vector.shape_cast %add3A_74 : vector<16xi32> to vector<1x16xi32>
    tpu.vector_store %arg5[%swap3A_76, %swap3A_77], %swap3A_80 {strides = array<i32>} : memref<6x96xi32, #tpu.memory_space<vmem>>, vector<1x16xi32>,
    %get3A_81 = arith.constant 32 : index
    %get3A_82 = tpu.vector_load %arg4[%get3A_81] {strides = array<i32>} : memref<576xi32, #tpu.memory_space<vmem>>, vector<16xi32>,
    %get3A_83 = vector.shape_cast %get3A_82 : vector<16xi32> to vector<16xi32>
    %add3A_84 = arith.addi %get3A_83, %broadcast_in_dim3A_55 : vector<16xi32>
    %broadcast_in_dim3A_85 = arith.constant 584 : i32
    %broadcast_in_dim3A_86 = vector.broadcast %broadcast_in_dim3A_85 : i32 to vector<16xi32>
    %add3A_87 = arith.addi %add3A_84, %broadcast_in_dim3A_86 : vector<16xi32>
    %swap3A_88 = arith.constant 0 : i32
    %swap3A_89 = arith.index_cast %swap3A_88 : i32 to index
    %swap3A_90 = arith.constant 32 : index
    %swap3A_91 = tpu.vector_load %arg5[%swap3A_89, %swap3A_90] {strides = array<i32>} : memref<6x96xi32, #tpu.memory_space<vmem>>, vector<1x16xi32>,
    %swap3A_92 = vector.shape_cast %swap3A_91 : vector<1x16xi32> to vector<16xi32>
    %swap3A_93 = vector.shape_cast %add3A_87 : vector<16xi32> to vector<1x16xi32>
    tpu.vector_store %arg5[%swap3A_89, %swap3A_90], %swap3A_93 {strides = array<i32>} : memref<6x96xi32, #tpu.memory_space<vmem>>, vector<1x16xi32>,
    %get3A_94 = arith.constant 48 : index
    %get3A_95 = tpu.vector_load %arg4[%get3A_94] {strides = array<i32>} : memref<576xi32, #tpu.memory_space<vmem>>, vector<16xi32>,
    %get3A_96 = vector.shape_cast %get3A_95 : vector<16xi32> to vector<16xi32>
    %add3A_97 = arith.addi %get3A_96, %broadcast_in_dim3A_55 : vector<16xi32>
    %broadcast_in_dim3A_98 = arith.constant 584 : i32
    %broadcast_in_dim3A_99 = vector.broadcast %broadcast_in_dim3A_98 : i32 to vector<16xi32>
    %add3A_100 = arith.addi %add3A_97, %broadcast_in_dim3A_99 : vector<16xi32>
    %swap3A_101 = arith.constant 0 : i32
    %swap3A_102 = arith.index_cast %swap3A_101 : i32 to index
    %swap3A_103 = arith.constant 48 : index
    %swap3A_104 = tpu.vector_load %arg5[%swap3A_102, %swap3A_103] {strides = array<i32>} : memref<6x96xi32, #tpu.memory_space<vmem>>, vector<1x16xi32>,
    %swap3A_105 = vector.shape_cast %swap3A_104 : vector<1x16xi32> to vector<16xi32>
    %swap3A_106 = vector.shape_cast %add3A_100 : vector<16xi32> to vector<1x16xi32>
    tpu.vector_store %arg5[%swap3A_102, %swap3A_103], %swap3A_106 {strides = array<i32>} : memref<6x96xi32, #tpu.memory_space<vmem>>, vector<1x16xi32>,
    %get3A_107 = arith.constant 64 : index
    %get3A_108 = tpu.vector_load %arg4[%get3A_107] {strides = array<i32>} : memref<576xi32, #tpu.memory_space<vmem>>, vector<16xi32>,
    %get3A_109 = vector.shape_cast %get3A_108 : vector<16xi32> to vector<16xi32>
    %add3A_110 = arith.addi %get3A_109, %broadcast_in_dim3A_55 : vector<16xi32>
    %broadcast_in_dim3A_111 = arith.constant 1168 : i32
    %broadcast_in_dim3A_112 = vector.broadcast %broadcast_in_dim3A_111 : i32 to vector<16xi32>
    %add3A_113 = arith.addi %add3A_110, %broadcast_in_dim3A_112 : vector<16xi32>
    %swap3A_114 = arith.constant 0 : i32
    %swap3A_115 = arith.index_cast %swap3A_114 : i32 to index
    %swap3A_116 = arith.constant 64 : index
    %swap3A_117 = tpu.vector_load %arg5[%swap3A_115, %swap3A_116] {strides = array<i32>} : memref<6x96xi32, #tpu.memory_space<vmem>>, vector<1x16xi32>,
    %swap3A_118 = vector.shape_cast %swap3A_117 : vector<1x16xi32> to vector<16xi32>
    %swap3A_119 = vector.shape_cast %add3A_113 : vector<16xi32> to vector<1x16xi32>
    tpu.vector_store %arg5[%swap3A_115, %swap3A_116], %swap3A_119 {strides = array<i32>} : memref<6x96xi32, #tpu.memory_space<vmem>>, vector<1x16xi32>,
    %get3A_120 = arith.constant 80 : index
    %get3A_121 = tpu.vector_load %arg4[%get3A_120] {strides = array<i32>} : memref<576xi32, #tpu.memory_space<vmem>>, vector<16xi32>,
    %get3A_122 = vector.shape_cast %get3A_121 : vector<16xi32> to vector<16xi32>
    %add3A_123 = arith.addi %get3A_122, %broadcast_in_dim3A_55 : vector<16xi32>
    %broadcast_in_dim3A_124 = arith.constant 1168 : i32
    %broadcast_in_dim3A_125 = vector.broadcast %broadcast_in_dim3A_124 : i32 to vector<16xi32>
    %add3A_126 = arith.addi %add3A_123, %broadcast_in_dim3A_125 : vector<16xi32>
    %swap3A_127 = arith.constant 0 : i32
    %swap3A_128 = arith.index_cast %swap3A_127 : i32 to index
    %swap3A_129 = arith.constant 80 : index
    %swap3A_130 = tpu.vector_load %arg5[%swap3A_128, %swap3A_129] {strides = array<i32>} : memref<6x96xi32, #tpu.memory_space<vmem>>, vector<1x16xi32>,
    %swap3A_131 = vector.shape_cast %swap3A_130 : vector<1x16xi32> to vector<16xi32>
    %swap3A_132 = vector.shape_cast %add3A_126 : vector<16xi32> to vector<1x16xi32>
    tpu.vector_store %arg5[%swap3A_128, %swap3A_129], %swap3A_132 {strides = array<i32>} : memref<6x96xi32, #tpu.memory_space<vmem>>, vector<1x16xi32>,
    %get3A_133 = arith.constant 96 : index
    %get3A_134 = tpu.vector_load %arg4[%get3A_133] {strides = array<i32>} : memref<576xi32, #tpu.memory_space<vmem>>, vector<16xi32>,
    %get3A_135 = vector.shape_cast %get3A_134 : vector<16xi32> to vector<16xi32>
    %add3A_136 = arith.addi %get3A_135, %broadcast_in_dim3A_55 : vector<16xi32>
    %broadcast_in_dim3A_137 = arith.constant 1752 : i32
    %broadcast_in_dim3A_138 = vector.broadcast %broadcast_in_dim3A_137 : i32 to vector<16xi32>
    %add3A_139 = arith.addi %add3A_136, %broadcast_in_dim3A_138 : vector<16xi32>
    %swap3A_140 = arith.constant 1 : i32
    %swap3A_141 = arith.index_cast %swap3A_140 : i32 to index
    %swap3A_142 = arith.constant 0 : index
    %swap3A_143 = tpu.vector_load %arg5[%swap3A_141, %swap3A_142] {strides = array<i32>} : memref<6x96xi32, #tpu.memory_space<vmem>>, vector<1x16xi32>,
    %swap3A_144 = vector.shape_cast %swap3A_143 : vector<1x16xi32> to vector<16xi32>
    %swap3A_145 = vector.shape_cast %add3A_139 : vector<16xi32> to vector<1x16xi32>
    tpu.vector_store %arg5[%swap3A_141, %swap3A_142], %swap3A_145 {strides = array<i32>} : memref<6x96xi32, #tpu.memory_space<vmem>>, vector<1x16xi32>,
    %get3A_146 = arith.constant 112 : index
    %get3A_147 = tpu.vector_load %arg4[%get3A_146] {strides = array<i32>} : memref<576xi32, #tpu.memory_space<vmem>>, vector<16xi32>,
    %get3A_148 = vector.shape_cast %get3A_147 : vector<16xi32> to vector<16xi32>
    %add3A_149 = arith.addi %get3A_148, %broadcast_in_dim3A_55 : vector<16xi32>
    %broadcast_in_dim3A_150 = arith.constant 1752 : i32
    %broadcast_in_dim3A_151 = vector.broadcast %broadcast_in_dim3A_150 : i32 to vector<16xi32>
    %add3A_152 = arith.addi %add3A_149, %broadcast_in_dim3A_151 : vector<16xi32>
    %swap3A_153 = arith.constant 1 : i32
    %swap3A_154 = arith.index_cast %swap3A_153 : i32 to index
    %swap3A_155 = arith.constant 16 : index
    %swap3A_156 = tpu.vector_load %arg5[%swap3A_154, %swap3A_155] {strides = array<i32>} : memref<6x96xi32, #tpu.memory_space<vmem>>, vector<1x16xi32>,
    %swap3A_157 = vector.shape_cast %swap3A_156 : vector<1x16xi32> to vector<16xi32>
    %swap3A_158 = vector.shape_cast %add3A_152 : vector<16xi32> to vector<1x16xi32>
    tpu.vector_store %arg5[%swap3A_154, %swap3A_155], %swap3A_158 {strides = array<i32>} : memref<6x96xi32, #tpu.memory_space<vmem>>, vector<1x16xi32>,
    %get3A_159 = arith.constant 128 : index
    %get3A_160 = tpu.vector_load %arg4[%get3A_159] {strides = array<i32>} : memref<576xi32, #tpu.memory_space<vmem>>, vector<16xi32>,
    %get3A_161 = vector.shape_cast %get3A_160 : vector<16xi32> to vector<16xi32>
    %add3A_162 = arith.addi %get3A_161, %broadcast_in_dim3A_55 : vector<16xi32>
    %broadcast_in_dim3A_163 = arith.constant 2336 : i32
    %broadcast_in_dim3A_164 = vector.broadcast %broadcast_in_dim3A_163 : i32 to vector<16xi32>
    %add3A_165 = arith.addi %add3A_162, %broadcast_in_dim3A_164 : vector<16xi32>
    %swap3A_166 = arith.constant 1 : i32
    %swap3A_167 = arith.index_cast %swap3A_166 : i32 to index
    %swap3A_168 = arith.constant 32 : index
    %swap3A_169 = tpu.vector_load %arg5[%swap3A_167, %swap3A_168] {strides = array<i32>} : memref<6x96xi32, #tpu.memory_space<vmem>>, vector<1x16xi32>,
    %swap3A_170 = vector.shape_cast %swap3A_169 : vector<1x16xi32> to vector<16xi32>
    %swap3A_171 = vector.shape_cast %add3A_165 : vector<16xi32> to vector<1x16xi32>
    tpu.vector_store %arg5[%swap3A_167, %swap3A_168], %swap3A_171 {strides = array<i32>} : memref<6x96xi32, #tpu.memory_space<vmem>>, vector<1x16xi32>,
    %get3A_172 = arith.constant 144 : index
    %get3A_173 = tpu.vector_load %arg4[%get3A_172] {strides = array<i32>} : memref<576xi32, #tpu.memory_space<vmem>>, vector<16xi32>,
    %get3A_174 = vector.shape_cast %get3A_173 : vector<16xi32> to vector<16xi32>
    %add3A_175 = arith.addi %get3A_174, %broadcast_in_dim3A_55 : vector<16xi32>
    %broadcast_in_dim3A_176 = arith.constant 2336 : i32
    %broadcast_in_dim3A_177 = vector.broadcast %broadcast_in_dim3A_176 : i32 to vector<16xi32>
    %add3A_178 = arith.addi %add3A_175, %broadcast_in_dim3A_177 : vector<16xi32>
    %swap3A_179 = arith.constant 1 : i32
    %swap3A_180 = arith.index_cast %swap3A_179 : i32 to index
    %swap3A_181 = arith.constant 48 : index
    %swap3A_182 = tpu.vector_load %arg5[%swap3A_180, %swap3A_181] {strides = array<i32>} : memref<6x96xi32, #tpu.memory_space<vmem>>, vector<1x16xi32>,
    %swap3A_183 = vector.shape_cast %swap3A_182 : vector<1x16xi32> to vector<16xi32>
    %swap3A_184 = vector.shape_cast %add3A_178 : vector<16xi32> to vector<1x16xi32>
    tpu.vector_store %arg5[%swap3A_180, %swap3A_181], %swap3A_184 {strides = array<i32>} : memref<6x96xi32, #tpu.memory_space<vmem>>, vector<1x16xi32>,
    %get3A_185 = arith.constant 160 : index
    %get3A_186 = tpu.vector_load %arg4[%get3A_185] {strides = array<i32>} : memref<576xi32, #tpu.memory_space<vmem>>, vector<16xi32>,
    %get3A_187 = vector.shape_cast %get3A_186 : vector<16xi32> to vector<16xi32>
    %add3A_188 = arith.addi %get3A_187, %broadcast_in_dim3A_55 : vector<16xi32>
    %broadcast_in_dim3A_189 = arith.constant 2920 : i32
    %broadcast_in_dim3A_190 = vector.broadcast %broadcast_in_dim3A_189 : i32 to vector<16xi32>
    %add3A_191 = arith.addi %add3A_188, %broadcast_in_dim3A_190 : vector<16xi32>
    %swap3A_192 = arith.constant 1 : i32
    %swap3A_193 = arith.index_cast %swap3A_192 : i32 to index
    %swap3A_194 = arith.constant 64 : index
    %swap3A_195 = tpu.vector_load %arg5[%swap3A_193, %swap3A_194] {strides = array<i32>} : memref<6x96xi32, #tpu.memory_space<vmem>>, vector<1x16xi32>,
    %swap3A_196 = vector.shape_cast %swap3A_195 : vector<1x16xi32> to vector<16xi32>
    %swap3A_197 = vector.shape_cast %add3A_191 : vector<16xi32> to vector<1x16xi32>
    tpu.vector_store %arg5[%swap3A_193, %swap3A_194], %swap3A_197 {strides = array<i32>} : memref<6x96xi32, #tpu.memory_space<vmem>>, vector<1x16xi32>,
    %get3A_198 = arith.constant 176 : index
    %get3A_199 = tpu.vector_load %arg4[%get3A_198] {strides = array<i32>} : memref<576xi32, #tpu.memory_space<vmem>>, vector<16xi32>,
    %get3A_200 = vector.shape_cast %get3A_199 : vector<16xi32> to vector<16xi32>
    %add3A_201 = arith.addi %get3A_200, %broadcast_in_dim3A_55 : vector<16xi32>
    %broadcast_in_dim3A_202 = arith.constant 2920 : i32
    %broadcast_in_dim3A_203 = vector.broadcast %broadcast_in_dim3A_202 : i32 to vector<16xi32>
    %add3A_204 = arith.addi %add3A_201, %broadcast_in_dim3A_203 : vector<16xi32>
    %swap3A_205 = arith.constant 1 : i32
    %swap3A_206 = arith.index_cast %swap3A_205 : i32 to index
    %swap3A_207 = arith.constant 80 : index
    %swap3A_208 = tpu.vector_load %arg5[%swap3A_206, %swap3A_207] {strides = array<i32>} : memref<6x96xi32, #tpu.memory_space<vmem>>, vector<1x16xi32>,
    %swap3A_209 = vector.shape_cast %swap3A_208 : vector<1x16xi32> to vector<16xi32>
    %swap3A_210 = vector.shape_cast %add3A_204 : vector<16xi32> to vector<1x16xi32>
    tpu.vector_store %arg5[%swap3A_206, %swap3A_207], %swap3A_210 {strides = array<i32>} : memref<6x96xi32, #tpu.memory_space<vmem>>, vector<1x16xi32>,
    %get3A_211 = arith.constant 192 : index
    %get3A_212 = tpu.vector_load %arg4[%get3A_211] {strides = array<i32>} : memref<576xi32, #tpu.memory_space<vmem>>, vector<16xi32>,
    %get3A_213 = vector.shape_cast %get3A_212 : vector<16xi32> to vector<16xi32>
    %add3A_214 = arith.addi %get3A_213, %broadcast_in_dim3A_55 : vector<16xi32>
    %broadcast_in_dim3A_215 = arith.constant 3504 : i32
    %broadcast_in_dim3A_216 = vector.broadcast %broadcast_in_dim3A_215 : i32 to vector<16xi32>
    %add3A_217 = arith.addi %add3A_214, %broadcast_in_dim3A_216 : vector<16xi32>
    %swap3A_218 = arith.constant 2 : i32
    %swap3A_219 = arith.index_cast %swap3A_218 : i32 to index
    %swap3A_220 = arith.constant 0 : index
    %swap3A_221 = tpu.vector_load %arg5[%swap3A_219, %swap3A_220] {strides = array<i32>} : memref<6x96xi32, #tpu.memory_space<vmem>>, vector<1x16xi32>,
    %swap3A_222 = vector.shape_cast %swap3A_221 : vector<1x16xi32> to vector<16xi32>
    %swap3A_223 = vector.shape_cast %add3A_217 : vector<16xi32> to vector<1x16xi32>
    tpu.vector_store %arg5[%swap3A_219, %swap3A_220], %swap3A_223 {strides = array<i32>} : memref<6x96xi32, #tpu.memory_space<vmem>>, vector<1x16xi32>,
    %get3A_224 = arith.constant 208 : index
    %get3A_225 = tpu.vector_load %arg4[%get3A_224] {strides = array<i32>} : memref<576xi32, #tpu.memory_space<vmem>>, vector<16xi32>,
    %get3A_226 = vector.shape_cast %get3A_225 : vector<16xi32> to vector<16xi32>
    %add3A_227 = arith.addi %get3A_226, %broadcast_in_dim3A_55 : vector<16xi32>
    %broadcast_in_dim3A_228 = arith.constant 3504 : i32
    %broadcast_in_dim3A_229 = vector.broadcast %broadcast_in_dim3A_228 : i32 to vector<16xi32>
    %add3A_230 = arith.addi %add3A_227, %broadcast_in_dim3A_229 : vector<16xi32>
    %swap3A_231 = arith.constant 2 : i32
    %swap3A_232 = arith.index_cast %swap3A_231 : i32 to index
    %swap3A_233 = arith.constant 16 : index
    %swap3A_234 = tpu.vector_load %arg5[%swap3A_232, %swap3A_233] {strides = array<i32>} : memref<6x96xi32, #tpu.memory_space<vmem>>, vector<1x16xi32>,
    %swap3A_235 = vector.shape_cast %swap3A_234 : vector<1x16xi32> to vector<16xi32>
    %swap3A_236 = vector.shape_cast %add3A_230 : vector<16xi32> to vector<1x16xi32>
    tpu.vector_store %arg5[%swap3A_232, %swap3A_233], %swap3A_236 {strides = array<i32>} : memref<6x96xi32, #tpu.memory_space<vmem>>, vector<1x16xi32>,
    %get3A_237 = arith.constant 224 : index
    %get3A_238 = tpu.vector_load %arg4[%get3A_237] {strides = array<i32>} : memref<576xi32, #tpu.memory_space<vmem>>, vector<16xi32>,
    %get3A_239 = vector.shape_cast %get3A_238 : vector<16xi32> to vector<16xi32>
    %add3A_240 = arith.addi %get3A_239, %broadcast_in_dim3A_55 : vector<16xi32>
    %broadcast_in_dim3A_241 = arith.constant 4088 : i32
    %broadcast_in_dim3A_242 = vector.broadcast %broadcast_in_dim3A_241 : i32 to vector<16xi32>
    %add3A_243 = arith.addi %add3A_240, %broadcast_in_dim3A_242 : vector<16xi32>
    %swap3A_244 = arith.constant 2 : i32
    %swap3A_245 = arith.index_cast %swap3A_244 : i32 to index
    %swap3A_246 = arith.constant 32 : index
    %swap3A_247 = tpu.vector_load %arg5[%swap3A_245, %swap3A_246] {strides = array<i32>} : memref<6x96xi32, #tpu.memory_space<vmem>>, vector<1x16xi32>,
    %swap3A_248 = vector.shape_cast %swap3A_247 : vector<1x16xi32> to vector<16xi32>
    %swap3A_249 = vector.shape_cast %add3A_243 : vector<16xi32> to vector<1x16xi32>
    tpu.vector_store %arg5[%swap3A_245, %swap3A_246], %swap3A_249 {strides = array<i32>} : memref<6x96xi32, #tpu.memory_space<vmem>>, vector<1x16xi32>,
    %get3A_250 = arith.constant 240 : index
    %get3A_251 = tpu.vector_load %arg4[%get3A_250] {strides = array<i32>} : memref<576xi32, #tpu.memory_space<vmem>>, vector<16xi32>,
    %get3A_252 = vector.shape_cast %get3A_251 : vector<16xi32> to vector<16xi32>
    %add3A_253 = arith.addi %get3A_252, %broadcast_in_dim3A_55 : vector<16xi32>
    %broadcast_in_dim3A_254 = arith.constant 4088 : i32
    %broadcast_in_dim3A_255 = vector.broadcast %broadcast_in_dim3A_254 : i32 to vector<16xi32>
    %add3A_256 = arith.addi %add3A_253, %broadcast_in_dim3A_255 : vector<16xi32>
    %swap3A_257 = arith.constant 2 : i32
    %swap3A_258 = arith.index_cast %swap3A_257 : i32 to index
    %swap3A_259 = arith.constant 48 : index
    %swap3A_260 = tpu.vector_load %arg5[%swap3A_258, %swap3A_259] {strides = array<i32>} : memref<6x96xi32, #tpu.memory_space<vmem>>, vector<1x16xi32>,
    %swap3A_261 = vector.shape_cast %swap3A_260 : vector<1x16xi32> to vector<16xi32>
    %swap3A_262 = vector.shape_cast %add3A_256 : vector<16xi32> to vector<1x16xi32>
    tpu.vector_store %arg5[%swap3A_258, %swap3A_259], %swap3A_262 {strides = array<i32>} : memref<6x96xi32, #tpu.memory_space<vmem>>, vector<1x16xi32>,
    %get3A_263 = arith.constant 256 : index
    %get3A_264 = tpu.vector_load %arg4[%get3A_263] {strides = array<i32>} : memref<576xi32, #tpu.memory_space<vmem>>, vector<16xi32>,
    %get3A_265 = vector.shape_cast %get3A_264 : vector<16xi32> to vector<16xi32>
    %add3A_266 = arith.addi %get3A_265, %broadcast_in_dim3A_55 : vector<16xi32>
    %broadcast_in_dim3A_267 = arith.constant 4672 : i32
    %broadcast_in_dim3A_268 = vector.broadcast %broadcast_in_dim3A_267 : i32 to vector<16xi32>
    %add3A_269 = arith.addi %add3A_266, %broadcast_in_dim3A_268 : vector<16xi32>
    %swap3A_270 = arith.constant 2 : i32
    %swap3A_271 = arith.index_cast %swap3A_270 : i32 to index
    %swap3A_272 = arith.constant 64 : index
    %swap3A_273 = tpu.vector_load %arg5[%swap3A_271, %swap3A_272] {strides = array<i32>} : memref<6x96xi32, #tpu.memory_space<vmem>>, vector<1x16xi32>,
    %swap3A_274 = vector.shape_cast %swap3A_273 : vector<1x16xi32> to vector<16xi32>
    %swap3A_275 = vector.shape_cast %add3A_269 : vector<16xi32> to vector<1x16xi32>
    tpu.vector_store %arg5[%swap3A_271, %swap3A_272], %swap3A_275 {strides = array<i32>} : memref<6x96xi32, #tpu.memory_space<vmem>>, vector<1x16xi32>,
    %get3A_276 = arith.constant 272 : index
    %get3A_277 = tpu.vector_load %arg4[%get3A_276] {strides = array<i32>} : memref<576xi32, #tpu.memory_space<vmem>>, vector<16xi32>,
    %get3A_278 = vector.shape_cast %get3A_277 : vector<16xi32> to vector<16xi32>
    %add3A_279 = arith.addi %get3A_278, %broadcast_in_dim3A_55 : vector<16xi32>
    %broadcast_in_dim3A_280 = arith.constant 4672 : i32
    %broadcast_in_dim3A_281 = vector.broadcast %broadcast_in_dim3A_280 : i32 to vector<16xi32>
    %add3A_282 = arith.addi %add3A_279, %broadcast_in_dim3A_281 : vector<16xi32>
    %swap3A_283 = arith.constant 2 : i32
    %swap3A_284 = arith.index_cast %swap3A_283 : i32 to index
    %swap3A_285 = arith.constant 80 : index
    %swap3A_286 = tpu.vector_load %arg5[%swap3A_284, %swap3A_285] {strides = array<i32>} : memref<6x96xi32, #tpu.memory_space<vmem>>, vector<1x16xi32>,
    %swap3A_287 = vector.shape_cast %swap3A_286 : vector<1x16xi32> to vector<16xi32>
    %swap3A_288 = vector.shape_cast %add3A_282 : vector<16xi32> to vector<1x16xi32>
    tpu.vector_store %arg5[%swap3A_284, %swap3A_285], %swap3A_288 {strides = array<i32>} : memref<6x96xi32, #tpu.memory_space<vmem>>, vector<1x16xi32>,
    %get3A_289 = arith.constant 288 : index
    %get3A_290 = tpu.vector_load %arg4[%get3A_289] {strides = array<i32>} : memref<576xi32, #tpu.memory_space<vmem>>, vector<16xi32>,
    %get3A_291 = vector.shape_cast %get3A_290 : vector<16xi32> to vector<16xi32>
    %add3A_292 = arith.addi %get3A_291, %broadcast_in_dim3A_55 : vector<16xi32>
    %broadcast_in_dim3A_293 = arith.constant 5256 : i32
    %broadcast_in_dim3A_294 = vector.broadcast %broadcast_in_dim3A_293 : i32 to vector<16xi32>
    %add3A_295 = arith.addi %add3A_292, %broadcast_in_dim3A_294 : vector<16xi32>
    %swap3A_296 = arith.constant 3 : i32
    %swap3A_297 = arith.index_cast %swap3A_296 : i32 to index
    %swap3A_298 = arith.constant 0 : index
    %swap3A_299 = tpu.vector_load %arg5[%swap3A_297, %swap3A_298] {strides = array<i32>} : memref<6x96xi32, #tpu.memory_space<vmem>>, vector<1x16xi32>,
    %swap3A_300 = vector.shape_cast %swap3A_299 : vector<1x16xi32> to vector<16xi32>
    %swap3A_301 = vector.shape_cast %add3A_295 : vector<16xi32> to vector<1x16xi32>
    tpu.vector_store %arg5[%swap3A_297, %swap3A_298], %swap3A_301 {strides = array<i32>} : memref<6x96xi32, #tpu.memory_space<vmem>>, vector<1x16xi32>,
    %get3A_302 = arith.constant 304 : index
    %get3A_303 = tpu.vector_load %arg4[%get3A_302] {strides = array<i32>} : memref<576xi32, #tpu.memory_space<vmem>>, vector<16xi32>,
    %get3A_304 = vector.shape_cast %get3A_303 : vector<16xi32> to vector<16xi32>
    %add3A_305 = arith.addi %get3A_304, %broadcast_in_dim3A_55 : vector<16xi32>
    %broadcast_in_dim3A_306 = arith.constant 5256 : i32
    %broadcast_in_dim3A_307 = vector.broadcast %broadcast_in_dim3A_306 : i32 to vector<16xi32>
    %add3A_308 = arith.addi %add3A_305, %broadcast_in_dim3A_307 : vector<16xi32>
    %swap3A_309 = arith.constant 3 : i32
    %swap3A_310 = arith.index_cast %swap3A_309 : i32 to index
    %swap3A_311 = arith.constant 16 : index
    %swap3A_312 = tpu.vector_load %arg5[%swap3A_310, %swap3A_311] {strides = array<i32>} : memref<6x96xi32, #tpu.memory_space<vmem>>, vector<1x16xi32>,
    %swap3A_313 = vector.shape_cast %swap3A_312 : vector<1x16xi32> to vector<16xi32>
    %swap3A_314 = vector.shape_cast %add3A_308 : vector<16xi32> to vector<1x16xi32>
    tpu.vector_store %arg5[%swap3A_310, %swap3A_311], %swap3A_314 {strides = array<i32>} : memref<6x96xi32, #tpu.memory_space<vmem>>, vector<1x16xi32>,
    %get3A_315 = arith.constant 320 : index
    %get3A_316 = tpu.vector_load %arg4[%get3A_315] {strides = array<i32>} : memref<576xi32, #tpu.memory_space<vmem>>, vector<16xi32>,
    %get3A_317 = vector.shape_cast %get3A_316 : vector<16xi32> to vector<16xi32>
    %add3A_318 = arith.addi %get3A_317, %broadcast_in_dim3A_55 : vector<16xi32>
    %broadcast_in_dim3A_319 = arith.constant 5840 : i32
    %broadcast_in_dim3A_320 = vector.broadcast %broadcast_in_dim3A_319 : i32 to vector<16xi32>
    %add3A_321 = arith.addi %add3A_318, %broadcast_in_dim3A_320 : vector<16xi32>
    %swap3A_322 = arith.constant 3 : i32
    %swap3A_323 = arith.index_cast %swap3A_322 : i32 to index
    %swap3A_324 = arith.constant 32 : index
    %swap3A_325 = tpu.vector_load %arg5[%swap3A_323, %swap3A_324] {strides = array<i32>} : memref<6x96xi32, #tpu.memory_space<vmem>>, vector<1x16xi32>,
    %swap3A_326 = vector.shape_cast %swap3A_325 : vector<1x16xi32> to vector<16xi32>
    %swap3A_327 = vector.shape_cast %add3A_321 : vector<16xi32> to vector<1x16xi32>
    tpu.vector_store %arg5[%swap3A_323, %swap3A_324], %swap3A_327 {strides = array<i32>} : memref<6x96xi32, #tpu.memory_space<vmem>>, vector<1x16xi32>,
    %get3A_328 = arith.constant 336 : index
    %get3A_329 = tpu.vector_load %arg4[%get3A_328] {strides = array<i32>} : memref<576xi32, #tpu.memory_space<vmem>>, vector<16xi32>,
    %get3A_330 = vector.shape_cast %get3A_329 : vector<16xi32> to vector<16xi32>
    %add3A_331 = arith.addi %get3A_330, %broadcast_in_dim3A_55 : vector<16xi32>
    %broadcast_in_dim3A_332 = arith.constant 5840 : i32
    %broadcast_in_dim3A_333 = vector.broadcast %broadcast_in_dim3A_332 : i32 to vector<16xi32>
    %add3A_334 = arith.addi %add3A_331, %broadcast_in_dim3A_333 : vector<16xi32>
    %swap3A_335 = arith.constant 3 : i32
    %swap3A_336 = arith.index_cast %swap3A_335 : i32 to index
    %swap3A_337 = arith.constant 48 : index
    %swap3A_338 = tpu.vector_load %arg5[%swap3A_336, %swap3A_337] {strides = array<i32>} : memref<6x96xi32, #tpu.memory_space<vmem>>, vector<1x16xi32>,
    %swap3A_339 = vector.shape_cast %swap3A_338 : vector<1x16xi32> to vector<16xi32>
    %swap3A_340 = vector.shape_cast %add3A_334 : vector<16xi32> to vector<1x16xi32>
    tpu.vector_store %arg5[%swap3A_336, %swap3A_337], %swap3A_340 {strides = array<i32>} : memref<6x96xi32, #tpu.memory_space<vmem>>, vector<1x16xi32>,
    %get3A_341 = arith.constant 352 : index
    %get3A_342 = tpu.vector_load %arg4[%get3A_341] {strides = array<i32>} : memref<576xi32, #tpu.memory_space<vmem>>, vector<16xi32>,
    %get3A_343 = vector.shape_cast %get3A_342 : vector<16xi32> to vector<16xi32>
    %add3A_344 = arith.addi %get3A_343, %broadcast_in_dim3A_55 : vector<16xi32>
    %broadcast_in_dim3A_345 = arith.constant 6424 : i32
    %broadcast_in_dim3A_346 = vector.broadcast %broadcast_in_dim3A_345 : i32 to vector<16xi32>
    %add3A_347 = arith.addi %add3A_344, %broadcast_in_dim3A_346 : vector<16xi32>
    %swap3A_348 = arith.constant 3 : i32
    %swap3A_349 = arith.index_cast %swap3A_348 : i32 to index
    %swap3A_350 = arith.constant 64 : index
    %swap3A_351 = tpu.vector_load %arg5[%swap3A_349, %swap3A_350] {strides = array<i32>} : memref<6x96xi32, #tpu.memory_space<vmem>>, vector<1x16xi32>,
    %swap3A_352 = vector.shape_cast %swap3A_351 : vector<1x16xi32> to vector<16xi32>
    %swap3A_353 = vector.shape_cast %add3A_347 : vector<16xi32> to vector<1x16xi32>
    tpu.vector_store %arg5[%swap3A_349, %swap3A_350], %swap3A_353 {strides = array<i32>} : memref<6x96xi32, #tpu.memory_space<vmem>>, vector<1x16xi32>,
    %get3A_354 = arith.constant 368 : index
    %get3A_355 = tpu.vector_load %arg4[%get3A_354] {strides = array<i32>} : memref<576xi32, #tpu.memory_space<vmem>>, vector<16xi32>,
    %get3A_356 = vector.shape_cast %get3A_355 : vector<16xi32> to vector<16xi32>
    %add3A_357 = arith.addi %get3A_356, %broadcast_in_dim3A_55 : vector<16xi32>
    %broadcast_in_dim3A_358 = arith.constant 6424 : i32
    %broadcast_in_dim3A_359 = vector.broadcast %broadcast_in_dim3A_358 : i32 to vector<16xi32>
    %add3A_360 = arith.addi %add3A_357, %broadcast_in_dim3A_359 : vector<16xi32>
    %swap3A_361 = arith.constant 3 : i32
    %swap3A_362 = arith.index_cast %swap3A_361 : i32 to index
    %swap3A_363 = arith.constant 80 : index
    %swap3A_364 = tpu.vector_load %arg5[%swap3A_362, %swap3A_363] {strides = array<i32>} : memref<6x96xi32, #tpu.memory_space<vmem>>, vector<1x16xi32>,
    %swap3A_365 = vector.shape_cast %swap3A_364 : vector<1x16xi32> to vector<16xi32>
    %swap3A_366 = vector.shape_cast %add3A_360 : vector<16xi32> to vector<1x16xi32>
    tpu.vector_store %arg5[%swap3A_362, %swap3A_363], %swap3A_366 {strides = array<i32>} : memref<6x96xi32, #tpu.memory_space<vmem>>, vector<1x16xi32>,
    %get3A_367 = arith.constant 384 : index
    %get3A_368 = tpu.vector_load %arg4[%get3A_367] {strides = array<i32>} : memref<576xi32, #tpu.memory_space<vmem>>, vector<16xi32>,
    %get3A_369 = vector.shape_cast %get3A_368 : vector<16xi32> to vector<16xi32>
    %add3A_370 = arith.addi %get3A_369, %broadcast_in_dim3A_55 : vector<16xi32>
    %broadcast_in_dim3A_371 = arith.constant 7008 : i32
    %broadcast_in_dim3A_372 = vector.broadcast %broadcast_in_dim3A_371 : i32 to vector<16xi32>
    %add3A_373 = arith.addi %add3A_370, %broadcast_in_dim3A_372 : vector<16xi32>
    %swap3A_374 = arith.constant 4 : i32
    %swap3A_375 = arith.index_cast %swap3A_374 : i32 to index
    %swap3A_376 = arith.constant 0 : index
    %swap3A_377 = tpu.vector_load %arg5[%swap3A_375, %swap3A_376] {strides = array<i32>} : memref<6x96xi32, #tpu.memory_space<vmem>>, vector<1x16xi32>,
    %swap3A_378 = vector.shape_cast %swap3A_377 : vector<1x16xi32> to vector<16xi32>
    %swap3A_379 = vector.shape_cast %add3A_373 : vector<16xi32> to vector<1x16xi32>
    tpu.vector_store %arg5[%swap3A_375, %swap3A_376], %swap3A_379 {strides = array<i32>} : memref<6x96xi32, #tpu.memory_space<vmem>>, vector<1x16xi32>,
    %get3A_380 = arith.constant 400 : index
    %get3A_381 = tpu.vector_load %arg4[%get3A_380] {strides = array<i32>} : memref<576xi32, #tpu.memory_space<vmem>>, vector<16xi32>,
    %get3A_382 = vector.shape_cast %get3A_381 : vector<16xi32> to vector<16xi32>
    %add3A_383 = arith.addi %get3A_382, %broadcast_in_dim3A_55 : vector<16xi32>
    %broadcast_in_dim3A_384 = arith.constant 7008 : i32
    %broadcast_in_dim3A_385 = vector.broadcast %broadcast_in_dim3A_384 : i32 to vector<16xi32>
    %add3A_386 = arith.addi %add3A_383, %broadcast_in_dim3A_385 : vector<16xi32>
    %swap3A_387 = arith.constant 4 : i32
    %swap3A_388 = arith.index_cast %swap3A_387 : i32 to index
    %swap3A_389 = arith.constant 16 : index
    %swap3A_390 = tpu.vector_load %arg5[%swap3A_388, %swap3A_389] {strides = array<i32>} : memref<6x96xi32, #tpu.memory_space<vmem>>, vector<1x16xi32>,
    %swap3A_391 = vector.shape_cast %swap3A_390 : vector<1x16xi32> to vector<16xi32>
    %swap3A_392 = vector.shape_cast %add3A_386 : vector<16xi32> to vector<1x16xi32>
    tpu.vector_store %arg5[%swap3A_388, %swap3A_389], %swap3A_392 {strides = array<i32>} : memref<6x96xi32, #tpu.memory_space<vmem>>, vector<1x16xi32>,
    %get3A_393 = arith.constant 416 : index
    %get3A_394 = tpu.vector_load %arg4[%get3A_393] {strides = array<i32>} : memref<576xi32, #tpu.memory_space<vmem>>, vector<16xi32>,
    %get3A_395 = vector.shape_cast %get3A_394 : vector<16xi32> to vector<16xi32>
    %add3A_396 = arith.addi %get3A_395, %broadcast_in_dim3A_55 : vector<16xi32>
    %broadcast_in_dim3A_397 = arith.constant 7592 : i32
    %broadcast_in_dim3A_398 = vector.broadcast %broadcast_in_dim3A_397 : i32 to vector<16xi32>
    %add3A_399 = arith.addi %add3A_396, %broadcast_in_dim3A_398 : vector<16xi32>
    %swap3A_400 = arith.constant 4 : i32
    %swap3A_401 = arith.index_cast %swap3A_400 : i32 to index
    %swap3A_402 = arith.constant 32 : index
    %swap3A_403 = tpu.vector_load %arg5[%swap3A_401, %swap3A_402] {strides = array<i32>} : memref<6x96xi32, #tpu.memory_space<vmem>>, vector<1x16xi32>,
    %swap3A_404 = vector.shape_cast %swap3A_403 : vector<1x16xi32> to vector<16xi32>
    %swap3A_405 = vector.shape_cast %add3A_399 : vector<16xi32> to vector<1x16xi32>
    tpu.vector_store %arg5[%swap3A_401, %swap3A_402], %swap3A_405 {strides = array<i32>} : memref<6x96xi32, #tpu.memory_space<vmem>>, vector<1x16xi32>,
    %get3A_406 = arith.constant 432 : index
    %get3A_407 = tpu.vector_load %arg4[%get3A_406] {strides = array<i32>} : memref<576xi32, #tpu.memory_space<vmem>>, vector<16xi32>,
    %get3A_408 = vector.shape_cast %get3A_407 : vector<16xi32> to vector<16xi32>
    %add3A_409 = arith.addi %get3A_408, %broadcast_in_dim3A_55 : vector<16xi32>
    %broadcast_in_dim3A_410 = arith.constant 7592 : i32
    %broadcast_in_dim3A_411 = vector.broadcast %broadcast_in_dim3A_410 : i32 to vector<16xi32>
    %add3A_412 = arith.addi %add3A_409, %broadcast_in_dim3A_411 : vector<16xi32>
    %swap3A_413 = arith.constant 4 : i32
    %swap3A_414 = arith.index_cast %swap3A_413 : i32 to index
    %swap3A_415 = arith.constant 48 : index
    %swap3A_416 = tpu.vector_load %arg5[%swap3A_414, %swap3A_415] {strides = array<i32>} : memref<6x96xi32, #tpu.memory_space<vmem>>, vector<1x16xi32>,
    %swap3A_417 = vector.shape_cast %swap3A_416 : vector<1x16xi32> to vector<16xi32>
    %swap3A_418 = vector.shape_cast %add3A_412 : vector<16xi32> to vector<1x16xi32>
    tpu.vector_store %arg5[%swap3A_414, %swap3A_415], %swap3A_418 {strides = array<i32>} : memref<6x96xi32, #tpu.memory_space<vmem>>, vector<1x16xi32>,
    %get3A_419 = arith.constant 448 : index
    %get3A_420 = tpu.vector_load %arg4[%get3A_419] {strides = array<i32>} : memref<576xi32, #tpu.memory_space<vmem>>, vector<16xi32>,
    %get3A_421 = vector.shape_cast %get3A_420 : vector<16xi32> to vector<16xi32>
    %add3A_422 = arith.addi %get3A_421, %broadcast_in_dim3A_55 : vector<16xi32>
    %broadcast_in_dim3A_423 = arith.constant 8176 : i32
    %broadcast_in_dim3A_424 = vector.broadcast %broadcast_in_dim3A_423 : i32 to vector<16xi32>
    %add3A_425 = arith.addi %add3A_422, %broadcast_in_dim3A_424 : vector<16xi32>
    %swap3A_426 = arith.constant 4 : i32
    %swap3A_427 = arith.index_cast %swap3A_426 : i32 to index
    %swap3A_428 = arith.constant 64 : index
    %swap3A_429 = tpu.vector_load %arg5[%swap3A_427, %swap3A_428] {strides = array<i32>} : memref<6x96xi32, #tpu.memory_space<vmem>>, vector<1x16xi32>,
    %swap3A_430 = vector.shape_cast %swap3A_429 : vector<1x16xi32> to vector<16xi32>
    %swap3A_431 = vector.shape_cast %add3A_425 : vector<16xi32> to vector<1x16xi32>
    tpu.vector_store %arg5[%swap3A_427, %swap3A_428], %swap3A_431 {strides = array<i32>} : memref<6x96xi32, #tpu.memory_space<vmem>>, vector<1x16xi32>,
    %get3A_432 = arith.constant 464 : index
    %get3A_433 = tpu.vector_load %arg4[%get3A_432] {strides = array<i32>} : memref<576xi32, #tpu.memory_space<vmem>>, vector<16xi32>,
    %get3A_434 = vector.shape_cast %get3A_433 : vector<16xi32> to vector<16xi32>
    %add3A_435 = arith.addi %get3A_434, %broadcast_in_dim3A_55 : vector<16xi32>
    %broadcast_in_dim3A_436 = arith.constant 8176 : i32
    %broadcast_in_dim3A_437 = vector.broadcast %broadcast_in_dim3A_436 : i32 to vector<16xi32>
    %add3A_438 = arith.addi %add3A_435, %broadcast_in_dim3A_437 : vector<16xi32>
    %swap3A_439 = arith.constant 4 : i32
    %swap3A_440 = arith.index_cast %swap3A_439 : i32 to index
    %swap3A_441 = arith.constant 80 : index
    %swap3A_442 = tpu.vector_load %arg5[%swap3A_440, %swap3A_441] {strides = array<i32>} : memref<6x96xi32, #tpu.memory_space<vmem>>, vector<1x16xi32>,
    %swap3A_443 = vector.shape_cast %swap3A_442 : vector<1x16xi32> to vector<16xi32>
    %swap3A_444 = vector.shape_cast %add3A_438 : vector<16xi32> to vector<1x16xi32>
    tpu.vector_store %arg5[%swap3A_440, %swap3A_441], %swap3A_444 {strides = array<i32>} : memref<6x96xi32, #tpu.memory_space<vmem>>, vector<1x16xi32>,
    %get3A_445 = arith.constant 480 : index
    %get3A_446 = tpu.vector_load %arg4[%get3A_445] {strides = array<i32>} : memref<576xi32, #tpu.memory_space<vmem>>, vector<16xi32>,
    %get3A_447 = vector.shape_cast %get3A_446 : vector<16xi32> to vector<16xi32>
    %add3A_448 = arith.addi %get3A_447, %broadcast_in_dim3A_55 : vector<16xi32>
    %broadcast_in_dim3A_449 = arith.constant 8760 : i32
    %broadcast_in_dim3A_450 = vector.broadcast %broadcast_in_dim3A_449 : i32 to vector<16xi32>
    %add3A_451 = arith.addi %add3A_448, %broadcast_in_dim3A_450 : vector<16xi32>
    %swap3A_452 = arith.constant 5 : i32
    %swap3A_453 = arith.index_cast %swap3A_452 : i32 to index
    %swap3A_454 = arith.constant 0 : index
    %swap3A_455 = tpu.vector_load %arg5[%swap3A_453, %swap3A_454] {strides = array<i32>} : memref<6x96xi32, #tpu.memory_space<vmem>>, vector<1x16xi32>,
    %swap3A_456 = vector.shape_cast %swap3A_455 : vector<1x16xi32> to vector<16xi32>
    %swap3A_457 = vector.shape_cast %add3A_451 : vector<16xi32> to vector<1x16xi32>
    tpu.vector_store %arg5[%swap3A_453, %swap3A_454], %swap3A_457 {strides = array<i32>} : memref<6x96xi32, #tpu.memory_space<vmem>>, vector<1x16xi32>,
    %get3A_458 = arith.constant 496 : index
    %get3A_459 = tpu.vector_load %arg4[%get3A_458] {strides = array<i32>} : memref<576xi32, #tpu.memory_space<vmem>>, vector<16xi32>,
    %get3A_460 = vector.shape_cast %get3A_459 : vector<16xi32> to vector<16xi32>
    %add3A_461 = arith.addi %get3A_460, %broadcast_in_dim3A_55 : vector<16xi32>
    %broadcast_in_dim3A_462 = arith.constant 8760 : i32
    %broadcast_in_dim3A_463 = vector.broadcast %broadcast_in_dim3A_462 : i32 to vector<16xi32>
    %add3A_464 = arith.addi %add3A_461, %broadcast_in_dim3A_463 : vector<16xi32>
    %swap3A_465 = arith.constant 5 : i32
    %swap3A_466 = arith.index_cast %swap3A_465 : i32 to index
    %swap3A_467 = arith.constant 16 : index
    %swap3A_468 = tpu.vector_load %arg5[%swap3A_466, %swap3A_467] {strides = array<i32>} : memref<6x96xi32, #tpu.memory_space<vmem>>, vector<1x16xi32>,
    %swap3A_469 = vector.shape_cast %swap3A_468 : vector<1x16xi32> to vector<16xi32>
    %swap3A_470 = vector.shape_cast %add3A_464 : vector<16xi32> to vector<1x16xi32>
    tpu.vector_store %arg5[%swap3A_466, %swap3A_467], %swap3A_470 {strides = array<i32>} : memref<6x96xi32, #tpu.memory_space<vmem>>, vector<1x16xi32>,
    %get3A_471 = arith.constant 512 : index
    %get3A_472 = tpu.vector_load %arg4[%get3A_471] {strides = array<i32>} : memref<576xi32, #tpu.memory_space<vmem>>, vector<16xi32>,
    %get3A_473 = vector.shape_cast %get3A_472 : vector<16xi32> to vector<16xi32>
    %add3A_474 = arith.addi %get3A_473, %broadcast_in_dim3A_55 : vector<16xi32>
    %broadcast_in_dim3A_475 = arith.constant 9344 : i32
    %broadcast_in_dim3A_476 = vector.broadcast %broadcast_in_dim3A_475 : i32 to vector<16xi32>
    %add3A_477 = arith.addi %add3A_474, %broadcast_in_dim3A_476 : vector<16xi32>
    %swap3A_478 = arith.constant 5 : i32
    %swap3A_479 = arith.index_cast %swap3A_478 : i32 to index
    %swap3A_480 = arith.constant 32 : index
    %swap3A_481 = tpu.vector_load %arg5[%swap3A_479, %swap3A_480] {strides = array<i32>} : memref<6x96xi32, #tpu.memory_space<vmem>>, vector<1x16xi32>,
    %swap3A_482 = vector.shape_cast %swap3A_481 : vector<1x16xi32> to vector<16xi32>
    %swap3A_483 = vector.shape_cast %add3A_477 : vector<16xi32> to vector<1x16xi32>
    tpu.vector_store %arg5[%swap3A_479, %swap3A_480], %swap3A_483 {strides = array<i32>} : memref<6x96xi32, #tpu.memory_space<vmem>>, vector<1x16xi32>,
    %get3A_484 = arith.constant 528 : index
    %get3A_485 = tpu.vector_load %arg4[%get3A_484] {strides = array<i32>} : memref<576xi32, #tpu.memory_space<vmem>>, vector<16xi32>,
    %get3A_486 = vector.shape_cast %get3A_485 : vector<16xi32> to vector<16xi32>
    %add3A_487 = arith.addi %get3A_486, %broadcast_in_dim3A_55 : vector<16xi32>
    %broadcast_in_dim3A_488 = arith.constant 9344 : i32
    %broadcast_in_dim3A_489 = vector.broadcast %broadcast_in_dim3A_488 : i32 to vector<16xi32>
    %add3A_490 = arith.addi %add3A_487, %broadcast_in_dim3A_489 : vector<16xi32>
    %swap3A_491 = arith.constant 5 : i32
    %swap3A_492 = arith.index_cast %swap3A_491 : i32 to index
    %swap3A_493 = arith.constant 48 : index
    %swap3A_494 = tpu.vector_load %arg5[%swap3A_492, %swap3A_493] {strides = array<i32>} : memref<6x96xi32, #tpu.memory_space<vmem>>, vector<1x16xi32>,
    %swap3A_495 = vector.shape_cast %swap3A_494 : vector<1x16xi32> to vector<16xi32>
    %swap3A_496 = vector.shape_cast %add3A_490 : vector<16xi32> to vector<1x16xi32>
    tpu.vector_store %arg5[%swap3A_492, %swap3A_493], %swap3A_496 {strides = array<i32>} : memref<6x96xi32, #tpu.memory_space<vmem>>, vector<1x16xi32>,
    %get3A_497 = arith.constant 544 : index
    %get3A_498 = tpu.vector_load %arg4[%get3A_497] {strides = array<i32>} : memref<576xi32, #tpu.memory_space<vmem>>, vector<16xi32>,
    %get3A_499 = vector.shape_cast %get3A_498 : vector<16xi32> to vector<16xi32>
    %add3A_500 = arith.addi %get3A_499, %broadcast_in_dim3A_55 : vector<16xi32>
    %broadcast_in_dim3A_501 = arith.constant 9928 : i32
    %broadcast_in_dim3A_502 = vector.broadcast %broadcast_in_dim3A_501 : i32 to vector<16xi32>
    %add3A_503 = arith.addi %add3A_500, %broadcast_in_dim3A_502 : vector<16xi32>
    %swap3A_504 = arith.constant 5 : i32
    %swap3A_505 = arith.index_cast %swap3A_504 : i32 to index
    %swap3A_506 = arith.constant 64 : index
    %swap3A_507 = tpu.vector_load %arg5[%swap3A_505, %swap3A_506] {strides = array<i32>} : memref<6x96xi32, #tpu.memory_space<vmem>>, vector<1x16xi32>,
    %swap3A_508 = vector.shape_cast %swap3A_507 : vector<1x16xi32> to vector<16xi32>
    %swap3A_509 = vector.shape_cast %add3A_503 : vector<16xi32> to vector<1x16xi32>
    tpu.vector_store %arg5[%swap3A_505, %swap3A_506], %swap3A_509 {strides = array<i32>} : memref<6x96xi32, #tpu.memory_space<vmem>>, vector<1x16xi32>,
    %get3A_510 = arith.constant 560 : index
    %get3A_511 = tpu.vector_load %arg4[%get3A_510] {strides = array<i32>} : memref<576xi32, #tpu.memory_space<vmem>>, vector<16xi32>,
    %get3A_512 = vector.shape_cast %get3A_511 : vector<16xi32> to vector<16xi32>
    %add3A_513 = arith.addi %get3A_512, %broadcast_in_dim3A_55 : vector<16xi32>
    %broadcast_in_dim3A_514 = arith.constant 9928 : i32
    %broadcast_in_dim3A_515 = vector.broadcast %broadcast_in_dim3A_514 : i32 to vector<16xi32>
    %add3A_516 = arith.addi %add3A_513, %broadcast_in_dim3A_515 : vector<16xi32>
    %swap3A_517 = arith.constant 5 : i32
    %swap3A_518 = arith.index_cast %swap3A_517 : i32 to index
    %swap3A_519 = arith.constant 80 : index
    %swap3A_520 = tpu.vector_load %arg5[%swap3A_518, %swap3A_519] {strides = array<i32>} : memref<6x96xi32, #tpu.memory_space<vmem>>, vector<1x16xi32>,
    %swap3A_521 = vector.shape_cast %swap3A_520 : vector<1x16xi32> to vector<16xi32>
    %swap3A_522 = vector.shape_cast %add3A_516 : vector<16xi32> to vector<1x16xi32>
    tpu.vector_store %arg5[%swap3A_518, %swap3A_519], %swap3A_522 {strides = array<i32>} : memref<6x96xi32, #tpu.memory_space<vmem>>, vector<1x16xi32>,
    %dma_wait3A_523 = tpu.memref_slice %arg8[%mul3A_4] : memref<168192xf32, #tpu.memory_space<vmem_shared>> -> memref<10512xf32, #tpu.memory_space<vmem_shared>>
    %dma_wait3A_524 = tpu.memref_slice %arg8[%mul3A_4] : memref<168192xf32, #tpu.memory_space<vmem_shared>> -> memref<10512xf32, #tpu.memory_space<vmem_shared>>
    tpu.wait_dma2 semaphore(%arg9 : memref<!tpu.dma_semaphore, #tpu.memory_space<semaphore_mem>>) src(%arg7 : memref<10512xf32, #tpu.memory_space<vmem>>) dst(%dma_wait3A_524 : memref<10512xf32, #tpu.memory_space<vmem_shared>>)
    %dma_start3A_525 = arith.constant 0 : i32
    %dma_start3A_526 = arith.constant 0 : i32
    %dma_start3A_527 = tpu.memref_slice %arg5[%dma_start3A_525, %dma_start3A_526] : memref<6x96xi32, #tpu.memory_space<vmem>> -> memref<1x96xi32, #tpu.memory_space<vmem>>
    %dma_start3A_528 = tpu.memref_squeeze %dma_start3A_527 : memref<1x96xi32, #tpu.memory_space<vmem>> -> memref<96xi32, #tpu.memory_space<vmem>>
    %dma_start3A_529 = arith.constant 0 : i32
    %dma_start3A_530 = tpu.memref_slice %arg8[%dma_start3A_529] : memref<168192xf32, #tpu.memory_space<vmem_shared>> -> memref<168192xf32, #tpu.memory_space<vmem_shared>>
    tpu.enqueue_indirect_dma source(%arg6 : memref<96xf32, #tpu.memory_space<vmem>>) target(%dma_start3A_530 : memref<168192xf32, #tpu.memory_space<vmem_shared>>) offsets(%dma_start3A_528 : memref<96xi32, #tpu.memory_space<vmem>>) semaphore(%arg9 : memref<!tpu.dma_semaphore, #tpu.memory_space<semaphore_mem>>) {add = true}
    %dma_start3A_531 = arith.constant 1 : i32
    %dma_start3A_532 = arith.constant 0 : i32
    %dma_start3A_533 = tpu.memref_slice %arg5[%dma_start3A_531, %dma_start3A_532] : memref<6x96xi32, #tpu.memory_space<vmem>> -> memref<1x96xi32, #tpu.memory_space<vmem>>
    %dma_start3A_534 = tpu.memref_squeeze %dma_start3A_533 : memref<1x96xi32, #tpu.memory_space<vmem>> -> memref<96xi32, #tpu.memory_space<vmem>>
    %dma_start3A_535 = arith.constant 0 : i32
    %dma_start3A_536 = tpu.memref_slice %arg8[%dma_start3A_535] : memref<168192xf32, #tpu.memory_space<vmem_shared>> -> memref<168192xf32, #tpu.memory_space<vmem_shared>>
    tpu.enqueue_indirect_dma source(%arg6 : memref<96xf32, #tpu.memory_space<vmem>>) target(%dma_start3A_536 : memref<168192xf32, #tpu.memory_space<vmem_shared>>) offsets(%dma_start3A_534 : memref<96xi32, #tpu.memory_space<vmem>>) semaphore(%arg9 : memref<!tpu.dma_semaphore, #tpu.memory_space<semaphore_mem>>) {add = true}
    %dma_start3A_537 = arith.constant 2 : i32
    %dma_start3A_538 = arith.constant 0 : i32
    %dma_start3A_539 = tpu.memref_slice %arg5[%dma_start3A_537, %dma_start3A_538] : memref<6x96xi32, #tpu.memory_space<vmem>> -> memref<1x96xi32, #tpu.memory_space<vmem>>
    %dma_start3A_540 = tpu.memref_squeeze %dma_start3A_539 : memref<1x96xi32, #tpu.memory_space<vmem>> -> memref<96xi32, #tpu.memory_space<vmem>>
    %dma_start3A_541 = arith.constant 0 : i32
    %dma_start3A_542 = tpu.memref_slice %arg8[%dma_start3A_541] : memref<168192xf32, #tpu.memory_space<vmem_shared>> -> memref<168192xf32, #tpu.memory_space<vmem_shared>>
    tpu.enqueue_indirect_dma source(%arg6 : memref<96xf32, #tpu.memory_space<vmem>>) target(%dma_start3A_542 : memref<168192xf32, #tpu.memory_space<vmem_shared>>) offsets(%dma_start3A_540 : memref<96xi32, #tpu.memory_space<vmem>>) semaphore(%arg9 : memref<!tpu.dma_semaphore, #tpu.memory_space<semaphore_mem>>) {add = true}
    %dma_start3A_543 = arith.constant 3 : i32
    %dma_start3A_544 = arith.constant 0 : i32
    %dma_start3A_545 = tpu.memref_slice %arg5[%dma_start3A_543, %dma_start3A_544] : memref<6x96xi32, #tpu.memory_space<vmem>> -> memref<1x96xi32, #tpu.memory_space<vmem>>
    %dma_start3A_546 = tpu.memref_squeeze %dma_start3A_545 : memref<1x96xi32, #tpu.memory_space<vmem>> -> memref<96xi32, #tpu.memory_space<vmem>>
    %dma_start3A_547 = arith.constant 0 : i32
    %dma_start3A_548 = tpu.memref_slice %arg8[%dma_start3A_547] : memref<168192xf32, #tpu.memory_space<vmem_shared>> -> memref<168192xf32, #tpu.memory_space<vmem_shared>>
    tpu.enqueue_indirect_dma source(%arg6 : memref<96xf32, #tpu.memory_space<vmem>>) target(%dma_start3A_548 : memref<168192xf32, #tpu.memory_space<vmem_shared>>) offsets(%dma_start3A_546 : memref<96xi32, #tpu.memory_space<vmem>>) semaphore(%arg9 : memref<!tpu.dma_semaphore, #tpu.memory_space<semaphore_mem>>) {add = true}
    %dma_start3A_549 = arith.constant 4 : i32
    %dma_start3A_550 = arith.constant 0 : i32
    %dma_start3A_551 = tpu.memref_slice %arg5[%dma_start3A_549, %dma_start3A_550] : memref<6x96xi32, #tpu.memory_space<vmem>> -> memref<1x96xi32, #tpu.memory_space<vmem>>
    %dma_start3A_552 = tpu.memref_squeeze %dma_start3A_551 : memref<1x96xi32, #tpu.memory_space<vmem>> -> memref<96xi32, #tpu.memory_space<vmem>>
    %dma_start3A_553 = arith.constant 0 : i32
    %dma_start3A_554 = tpu.memref_slice %arg8[%dma_start3A_553] : memref<168192xf32, #tpu.memory_space<vmem_shared>> -> memref<168192xf32, #tpu.memory_space<vmem_shared>>
    tpu.enqueue_indirect_dma source(%arg6 : memref<96xf32, #tpu.memory_space<vmem>>) target(%dma_start3A_554 : memref<168192xf32, #tpu.memory_space<vmem_shared>>) offsets(%dma_start3A_552 : memref<96xi32, #tpu.memory_space<vmem>>) semaphore(%arg9 : memref<!tpu.dma_semaphore, #tpu.memory_space<semaphore_mem>>) {add = true}
    %dma_start3A_555 = arith.constant 5 : i32
    %dma_start3A_556 = arith.constant 0 : i32
    %dma_start3A_557 = tpu.memref_slice %arg5[%dma_start3A_555, %dma_start3A_556] : memref<6x96xi32, #tpu.memory_space<vmem>> -> memref<1x96xi32, #tpu.memory_space<vmem>>
    %dma_start3A_558 = tpu.memref_squeeze %dma_start3A_557 : memref<1x96xi32, #tpu.memory_space<vmem>> -> memref<96xi32, #tpu.memory_space<vmem>>
    %dma_start3A_559 = arith.constant 0 : i32
    %dma_start3A_560 = tpu.memref_slice %arg8[%dma_start3A_559] : memref<168192xf32, #tpu.memory_space<vmem_shared>> -> memref<168192xf32, #tpu.memory_space<vmem_shared>>
    tpu.enqueue_indirect_dma source(%arg6 : memref<96xf32, #tpu.memory_space<vmem>>) target(%dma_start3A_560 : memref<168192xf32, #tpu.memory_space<vmem_shared>>) offsets(%dma_start3A_558 : memref<96xi32, #tpu.memory_space<vmem>>) semaphore(%arg9 : memref<!tpu.dma_semaphore, #tpu.memory_space<semaphore_mem>>) {add = true}
    %dma_wait3A_561 = arith.constant 0 : i32
    %dma_wait3A_562 = arith.constant 0 : i32
    %dma_wait3A_563 = tpu.memref_slice %arg5[%dma_wait3A_561, %dma_wait3A_562] : memref<6x96xi32, #tpu.memory_space<vmem>> -> memref<1x96xi32, #tpu.memory_space<vmem>>
    %dma_wait3A_564 = tpu.memref_squeeze %dma_wait3A_563 : memref<1x96xi32, #tpu.memory_space<vmem>> -> memref<96xi32, #tpu.memory_space<vmem>>
    %dma_wait3A_565 = arith.constant 0 : i32
    %dma_wait3A_566 = tpu.memref_slice %arg8[%dma_wait3A_565] : memref<168192xf32, #tpu.memory_space<vmem_shared>> -> memref<168192xf32, #tpu.memory_space<vmem_shared>>
    tpu.wait_indirect_dma semaphore(%arg9 : memref<!tpu.dma_semaphore, #tpu.memory_space<semaphore_mem>>) src(%arg6 : memref<96xf32, #tpu.memory_space<vmem>>) dst(%dma_wait3A_566 : memref<168192xf32, #tpu.memory_space<vmem_shared>>)
    %dma_wait3A_567 = arith.constant 1 : i32
    %dma_wait3A_568 = arith.constant 0 : i32
    %dma_wait3A_569 = tpu.memref_slice %arg5[%dma_wait3A_567, %dma_wait3A_568] : memref<6x96xi32, #tpu.memory_space<vmem>> -> memref<1x96xi32, #tpu.memory_space<vmem>>
    %dma_wait3A_570 = tpu.memref_squeeze %dma_wait3A_569 : memref<1x96xi32, #tpu.memory_space<vmem>> -> memref<96xi32, #tpu.memory_space<vmem>>
    %dma_wait3A_571 = arith.constant 0 : i32
    %dma_wait3A_572 = tpu.memref_slice %arg8[%dma_wait3A_571] : memref<168192xf32, #tpu.memory_space<vmem_shared>> -> memref<168192xf32, #tpu.memory_space<vmem_shared>>
    tpu.wait_indirect_dma semaphore(%arg9 : memref<!tpu.dma_semaphore, #tpu.memory_space<semaphore_mem>>) src(%arg6 : memref<96xf32, #tpu.memory_space<vmem>>) dst(%dma_wait3A_572 : memref<168192xf32, #tpu.memory_space<vmem_shared>>)
    %dma_wait3A_573 = arith.constant 2 : i32
    %dma_wait3A_574 = arith.constant 0 : i32
    %dma_wait3A_575 = tpu.memref_slice %arg5[%dma_wait3A_573, %dma_wait3A_574] : memref<6x96xi32, #tpu.memory_space<vmem>> -> memref<1x96xi32, #tpu.memory_space<vmem>>
    %dma_wait3A_576 = tpu.memref_squeeze %dma_wait3A_575 : memref<1x96xi32, #tpu.memory_space<vmem>> -> memref<96xi32, #tpu.memory_space<vmem>>
    %dma_wait3A_577 = arith.constant 0 : i32
    %dma_wait3A_578 = tpu.memref_slice %arg8[%dma_wait3A_577] : memref<168192xf32, #tpu.memory_space<vmem_shared>> -> memref<168192xf32, #tpu.memory_space<vmem_shared>>
    tpu.wait_indirect_dma semaphore(%arg9 : memref<!tpu.dma_semaphore, #tpu.memory_space<semaphore_mem>>) src(%arg6 : memref<96xf32, #tpu.memory_space<vmem>>) dst(%dma_wait3A_578 : memref<168192xf32, #tpu.memory_space<vmem_shared>>)
    %dma_wait3A_579 = arith.constant 3 : i32
    %dma_wait3A_580 = arith.constant 0 : i32
    %dma_wait3A_581 = tpu.memref_slice %arg5[%dma_wait3A_579, %dma_wait3A_580] : memref<6x96xi32, #tpu.memory_space<vmem>> -> memref<1x96xi32, #tpu.memory_space<vmem>>
    %dma_wait3A_582 = tpu.memref_squeeze %dma_wait3A_581 : memref<1x96xi32, #tpu.memory_space<vmem>> -> memref<96xi32, #tpu.memory_space<vmem>>
    %dma_wait3A_583 = arith.constant 0 : i32
    %dma_wait3A_584 = tpu.memref_slice %arg8[%dma_wait3A_583] : memref<168192xf32, #tpu.memory_space<vmem_shared>> -> memref<168192xf32, #tpu.memory_space<vmem_shared>>
    tpu.wait_indirect_dma semaphore(%arg9 : memref<!tpu.dma_semaphore, #tpu.memory_space<semaphore_mem>>) src(%arg6 : memref<96xf32, #tpu.memory_space<vmem>>) dst(%dma_wait3A_584 : memref<168192xf32, #tpu.memory_space<vmem_shared>>)
    %dma_wait3A_585 = arith.constant 4 : i32
    %dma_wait3A_586 = arith.constant 0 : i32
    %dma_wait3A_587 = tpu.memref_slice %arg5[%dma_wait3A_585, %dma_wait3A_586] : memref<6x96xi32, #tpu.memory_space<vmem>> -> memref<1x96xi32, #tpu.memory_space<vmem>>
    %dma_wait3A_588 = tpu.memref_squeeze %dma_wait3A_587 : memref<1x96xi32, #tpu.memory_space<vmem>> -> memref<96xi32, #tpu.memory_space<vmem>>
    %dma_wait3A_589 = arith.constant 0 : i32
    %dma_wait3A_590 = tpu.memref_slice %arg8[%dma_wait3A_589] : memref<168192xf32, #tpu.memory_space<vmem_shared>> -> memref<168192xf32, #tpu.memory_space<vmem_shared>>
    tpu.wait_indirect_dma semaphore(%arg9 : memref<!tpu.dma_semaphore, #tpu.memory_space<semaphore_mem>>) src(%arg6 : memref<96xf32, #tpu.memory_space<vmem>>) dst(%dma_wait3A_590 : memref<168192xf32, #tpu.memory_space<vmem_shared>>)
    %dma_wait3A_591 = arith.constant 5 : i32
    %dma_wait3A_592 = arith.constant 0 : i32
    %dma_wait3A_593 = tpu.memref_slice %arg5[%dma_wait3A_591, %dma_wait3A_592] : memref<6x96xi32, #tpu.memory_space<vmem>> -> memref<1x96xi32, #tpu.memory_space<vmem>>
    %dma_wait3A_594 = tpu.memref_squeeze %dma_wait3A_593 : memref<1x96xi32, #tpu.memory_space<vmem>> -> memref<96xi32, #tpu.memory_space<vmem>>
    %dma_wait3A_595 = arith.constant 0 : i32
    %dma_wait3A_596 = tpu.memref_slice %arg8[%dma_wait3A_595] : memref<168192xf32, #tpu.memory_space<vmem_shared>> -> memref<168192xf32, #tpu.memory_space<vmem_shared>>
    tpu.wait_indirect_dma semaphore(%arg9 : memref<!tpu.dma_semaphore, #tpu.memory_space<semaphore_mem>>) src(%arg6 : memref<96xf32, #tpu.memory_space<vmem>>) dst(%dma_wait3A_596 : memref<168192xf32, #tpu.memory_space<vmem_shared>>)
    "tpu.region"() ({
      %run_scoped3A = tpu.sem_alloc : memref<!tpu.dma_semaphore, #tpu.memory_space<semaphore_mem>>
      %dma_start3A_601 = tpu.memref_slice %arg8[%mul3A_4] : memref<168192xf32, #tpu.memory_space<vmem_shared>> -> memref<10512xf32, #tpu.memory_space<vmem_shared>>
      %dma_start3A_602 = tpu.memref_slice %arg8[%mul3A_4] : memref<168192xf32, #tpu.memory_space<vmem_shared>> -> memref<10512xf32, #tpu.memory_space<vmem_shared>>
      tpu.enqueue_dma source(%dma_start3A_602 : memref<10512xf32, #tpu.memory_space<vmem_shared>>) target(%arg7 : memref<10512xf32, #tpu.memory_space<vmem>>) target_semaphore(%run_scoped3A : memref<!tpu.dma_semaphore, #tpu.memory_space<semaphore_mem>>)
      %dma_wait3A_603 = tpu.memref_slice %arg8[%mul3A_4] : memref<168192xf32, #tpu.memory_space<vmem_shared>> -> memref<10512xf32, #tpu.memory_space<vmem_shared>>
      %dma_wait3A_604 = tpu.memref_slice %arg8[%mul3A_4] : memref<168192xf32, #tpu.memory_space<vmem_shared>> -> memref<10512xf32, #tpu.memory_space<vmem_shared>>
      tpu.wait_dma2 semaphore(%run_scoped3A : memref<!tpu.dma_semaphore, #tpu.memory_space<semaphore_mem>>) src(%dma_wait3A_604 : memref<10512xf32, #tpu.memory_space<vmem_shared>>) dst(%arg7 : memref<10512xf32, #tpu.memory_space<vmem>>)
      tpu.yield
    }) : () -> ()
    %add3A_597 = arith.constant 1 : i32
    %add3A_598 = arith.addi %add3A_597, %mul3A_2 : i32
    %mul3A_599 = arith.constant 584 : i32
    %mul3A_600 = arith.muli %add3A_598, %mul3A_599 : i32
    "tpu.region"() ({
      %run_scoped3A = tpu.sem_alloc : memref<!tpu.dma_semaphore, #tpu.memory_space<semaphore_mem>>
      %dma_start3A_601 = tpu.memref_slice %arg3[%mul3A_600] : memref<336968xf32, #tpu.memory_space<hbm>> -> memref<10512xf32, #tpu.memory_space<hbm>>
      %dma_start3A_602 = tpu.memref_slice %arg3[%mul3A_600] : memref<336968xf32, #tpu.memory_space<hbm>> -> memref<10512xf32, #tpu.memory_space<hbm>>
      tpu.enqueue_dma source(%arg7 : memref<10512xf32, #tpu.memory_space<vmem>>) target(%dma_start3A_602 : memref<10512xf32, #tpu.memory_space<hbm>>) target_semaphore(%run_scoped3A : memref<!tpu.dma_semaphore, #tpu.memory_space<semaphore_mem>>)
      %dma_wait3A_603 = tpu.memref_slice %arg3[%mul3A_600] : memref<336968xf32, #tpu.memory_space<hbm>> -> memref<10512xf32, #tpu.memory_space<hbm>>
      %dma_wait3A_604 = tpu.memref_slice %arg3[%mul3A_600] : memref<336968xf32, #tpu.memory_space<hbm>> -> memref<10512xf32, #tpu.memory_space<hbm>>
      tpu.wait_dma2 semaphore(%run_scoped3A : memref<!tpu.dma_semaphore, #tpu.memory_space<semaphore_mem>>) src(%arg7 : memref<10512xf32, #tpu.memory_space<vmem>>) dst(%dma_wait3A_604 : memref<10512xf32, #tpu.memory_space<hbm>>)
      tpu.yield
    }) : () -> ()
    return
  }
}

module attributes {stable_mosaic.version = 14 : i64} {
  func.func @_attn_block_kernel(%arg0: i32, %arg1: memref<1x577x768xf32, #tpu.memory_space<vmem>>, %arg2: memref<577x584xf32, #tpu.memory_space<vmem>>, %arg3: memref<768x2304xbf16, #tpu.memory_space<vmem>>, %arg4: memref<1x2304xf32, #tpu.memory_space<vmem>>, %arg5: memref<768x768xbf16, #tpu.memory_space<vmem>>, %arg6: memref<1x768xf32, #tpu.memory_space<vmem>>, %arg7: memref<1x768xf32, #tpu.memory_space<vmem>>, %arg8: memref<1x768xf32, #tpu.memory_space<vmem>>, %arg9: memref<1x768xf32, #tpu.memory_space<vmem>>, %arg10: memref<1x768xf32, #tpu.memory_space<vmem>>, %arg11: memref<1x577x768xf32, #tpu.memory_space<vmem>>, %arg12: memref<1x577x768xf32, #tpu.memory_space<vmem>>, %arg13: memref<577x768xf32, #tpu.memory_space<vmem>>) attributes {dimension_semantics = [#tpu.dimension_semantics<parallel>], iteration_bounds = array<i64: 4>, scalar_prefetch = 0 : i64, scratch_operands = 1 : i64, tpu.core_type = #tpu.core_type<tc>, window_params = [{transform_indices = @transform_0, window_bounds = array<i64: 1, 577, 768>}, {pipeline_mode = #tpu.pipeline_mode<synchronous>, transform_indices = @transform_1, window_bounds = array<i64: 577, 584>}, {pipeline_mode = #tpu.pipeline_mode<synchronous>, transform_indices = @transform_2, window_bounds = array<i64: 768, 2304>}, {pipeline_mode = #tpu.pipeline_mode<synchronous>, transform_indices = @transform_3, window_bounds = array<i64: 1, 2304>}, {pipeline_mode = #tpu.pipeline_mode<synchronous>, transform_indices = @transform_4, window_bounds = array<i64: 768, 768>}, {pipeline_mode = #tpu.pipeline_mode<synchronous>, transform_indices = @transform_5, window_bounds = array<i64: 1, 768>}, {pipeline_mode = #tpu.pipeline_mode<synchronous>, transform_indices = @transform_6, window_bounds = array<i64: 1, 768>}, {pipeline_mode = #tpu.pipeline_mode<synchronous>, transform_indices = @transform_7, window_bounds = array<i64: 1, 768>}, {pipeline_mode = #tpu.pipeline_mode<synchronous>, transform_indices = @transform_8, window_bounds = array<i64: 1, 768>}, {pipeline_mode = #tpu.pipeline_mode<synchronous>, transform_indices = @transform_9, window_bounds = array<i64: 1, 768>}, {transform_indices = @transform_10, window_bounds = array<i64: 1, 577, 768>}, {transform_indices = @transform_11, window_bounds = array<i64: 1, 577, 768>}]} {
    %get3A = arith.constant 0 : index
    %get3A_0 = arith.constant 0 : index
    %get3A_1 = arith.constant 0 : index
    %get3A_2 = vector.load %arg1[%get3A, %get3A_0, %get3A_1] : memref<1x577x768xf32, #tpu.memory_space<vmem>>, vector<1x577x768xf32>
    %get3A_3 = vector.shape_cast %get3A_2 : vector<1x577x768xf32> to vector<577x768xf32>
    %get3A_4 = arith.constant 0 : index
    %get3A_5 = arith.constant 0 : index
    %get3A_6 = vector.load %arg7[%get3A_4, %get3A_5] : memref<1x768xf32, #tpu.memory_space<vmem>>, vector<1x768xf32>
    %get3A_7 = arith.constant 0 : index
    %get3A_8 = arith.constant 0 : index
    %get3A_9 = vector.load %arg8[%get3A_7, %get3A_8] : memref<1x768xf32, #tpu.memory_space<vmem>>, vector<1x768xf32>
    %reduce_sum3A = arith.constant dense<0.000000e+00> : vector<577xf32>
    %reduce_sum3A_10 = vector.multi_reduction <add>, %get3A_3, %reduce_sum3A [1] : vector<577x768xf32> to vector<577xf32>
    %broadcast_in_dim3A = vector.shape_cast %reduce_sum3A_10 : vector<577xf32> to vector<577x1xf32>
    %div3A = arith.constant 7.680000e+02 : f32
    %div3A_11 = vector.broadcast %div3A : f32 to vector<577x1xf32>
    %div3A_12 = arith.divf %broadcast_in_dim3A, %div3A_11 : vector<577x1xf32>
    %sub3A = vector.broadcast %div3A_12 : vector<577x1xf32> to vector<577x768xf32>
    %sub3A_13 = arith.subf %get3A_3, %sub3A : vector<577x768xf32>
    %integer_pow3A = arith.mulf %sub3A_13, %sub3A_13 : vector<577x768xf32>
    %reduce_sum3A_14 = arith.constant dense<0.000000e+00> : vector<577xf32>
    %reduce_sum3A_15 = vector.multi_reduction <add>, %integer_pow3A, %reduce_sum3A_14 [1] : vector<577x768xf32> to vector<577xf32>
    %broadcast_in_dim3A_16 = vector.shape_cast %reduce_sum3A_15 : vector<577xf32> to vector<577x1xf32>
    %div3A_17 = arith.constant 7.680000e+02 : f32
    %div3A_18 = vector.broadcast %div3A_17 : f32 to vector<577x1xf32>
    %div3A_19 = arith.divf %broadcast_in_dim3A_16, %div3A_18 : vector<577x1xf32>
    %sub3A_20 = vector.broadcast %div3A_12 : vector<577x1xf32> to vector<577x768xf32>
    %sub3A_21 = arith.subf %get3A_3, %sub3A_20 : vector<577x768xf32>
    %add3A = arith.constant 9.99999974E-6 : f32
    %add3A_22 = vector.broadcast %add3A : f32 to vector<577x1xf32>
    %add3A_23 = arith.addf %div3A_19, %add3A_22 : vector<577x1xf32>
    %rsqrt3A = math.rsqrt %add3A_23 : vector<577x1xf32>
    %mul3A = vector.broadcast %rsqrt3A : vector<577x1xf32> to vector<577x768xf32>
    %mul3A_24 = arith.mulf %sub3A_21, %mul3A : vector<577x768xf32>
    %mul3A_25 = vector.broadcast %get3A_6 : vector<1x768xf32> to vector<577x768xf32>
    %mul3A_26 = arith.mulf %mul3A_24, %mul3A_25 : vector<577x768xf32>
    %add3A_27 = vector.broadcast %get3A_9 : vector<1x768xf32> to vector<577x768xf32>
    %add3A_28 = arith.addf %mul3A_26, %add3A_27 : vector<577x768xf32>
    %convert_element_type3A = arith.truncf %add3A_28 : vector<577x768xf32> to vector<577x768xbf16>
    %get3A_29 = arith.constant 0 : index
    %get3A_30 = arith.constant 0 : index
    %get3A_31 = vector.load %arg3[%get3A_29, %get3A_30] : memref<768x2304xbf16, #tpu.memory_space<vmem>>, vector<768x2304xbf16>
    %dot_general3A = arith.constant dense<0.000000e+00> : vector<577x2304xf32>
    %dot_general3A_32 = tpu.matmul %convert_element_type3A, %get3A_31, %dot_general3A {dimension_numbers = #tpu.dot_dimension_numbers<[1], [0], [0], [1], [0, 0, 1, 1], [], []>, transpose_lhs_hint = false} : vector<577x768xbf16>, vector<768x2304xbf16>, vector<577x2304xf32> -> vector<577x2304xf32>
    %get3A_33 = arith.constant 0 : index
    %get3A_34 = arith.constant 0 : index
    %get3A_35 = vector.load %arg4[%get3A_33, %get3A_34] : memref<1x2304xf32, #tpu.memory_space<vmem>>, vector<1x2304xf32>
    %add3A_36 = vector.broadcast %get3A_35 : vector<1x2304xf32> to vector<577x2304xf32>
    %add3A_37 = arith.addf %dot_general3A_32, %add3A_36 : vector<577x2304xf32>
    %get3A_38 = arith.constant 0 : index
    %get3A_39 = arith.constant 0 : index
    %get3A_40 = vector.load %arg2[%get3A_38, %get3A_39] : memref<577x584xf32, #tpu.memory_space<vmem>>, vector<577x577xf32>
    %broadcast_in_dim3A_41 = arith.constant 1.000000e+00 : bf16
    %broadcast_in_dim3A_42 = vector.broadcast %broadcast_in_dim3A_41 : bf16 to vector<577x1xbf16>
    %slice3A = vector.extract_strided_slice %add3A_37 {offsets = [0, 0], sizes = [577, 64], strides = [1, 1]} : vector<577x2304xf32> to vector<577x64xf32>
    %mul3A_43 = arith.constant 1.250000e-01 : f32
    %mul3A_44 = vector.broadcast %mul3A_43 : f32 to vector<577x64xf32>
    %mul3A_45 = arith.mulf %slice3A, %mul3A_44 : vector<577x64xf32>
    %convert_element_type3A_46 = arith.truncf %mul3A_45 : vector<577x64xf32> to vector<577x64xbf16>
    %slice3A_47 = vector.extract_strided_slice %add3A_37 {offsets = [0, 768], sizes = [577, 64], strides = [1, 1]} : vector<577x2304xf32> to vector<577x64xf32>
    %convert_element_type3A_48 = arith.truncf %slice3A_47 : vector<577x64xf32> to vector<577x64xbf16>
    %slice3A_49 = vector.extract_strided_slice %add3A_37 {offsets = [0, 1536], sizes = [577, 64], strides = [1, 1]} : vector<577x2304xf32> to vector<577x64xf32>
    %convert_element_type3A_50 = arith.truncf %slice3A_49 : vector<577x64xf32> to vector<577x64xbf16>
    %concatenate3A = tpu.concatenate %convert_element_type3A_50, %broadcast_in_dim3A_42 in 1 : vector<577x64xbf16>, vector<577x1xbf16> -> vector<577x65xbf16>
    %dot_general3A_51 = arith.constant dense<0.000000e+00> : vector<577x577xf32>
    %dot_general3A_52 = tpu.matmul %convert_element_type3A_46, %convert_element_type3A_48, %dot_general3A_51 {dimension_numbers = #tpu.dot_dimension_numbers<[1], [1], [0], [0], [0, 0, 1, 0], [], []>, transpose_lhs_hint = false} : vector<577x64xbf16>, vector<577x64xbf16>, vector<577x577xf32> -> vector<577x577xf32>
    %exp3A = math.exp %dot_general3A_52 : vector<577x577xf32>
    %mul3A_53 = arith.mulf %get3A_40, %exp3A : vector<577x577xf32>
    %convert_element_type3A_54 = arith.truncf %mul3A_53 : vector<577x577xf32> to vector<577x577xbf16>
    %dot_general3A_55 = arith.constant dense<0.000000e+00> : vector<577x65xf32>
    %dot_general3A_56 = tpu.matmul %convert_element_type3A_54, %concatenate3A, %dot_general3A_55 {dimension_numbers = #tpu.dot_dimension_numbers<[1], [0], [0], [1], [0, 0, 1, 1], [], []>, transpose_lhs_hint = false} : vector<577x577xbf16>, vector<577x65xbf16>, vector<577x65xf32> -> vector<577x65xf32>
    %slice3A_57 = vector.extract_strided_slice %dot_general3A_56 {offsets = [0, 0], sizes = [577, 64], strides = [1, 1]} : vector<577x65xf32> to vector<577x64xf32>
    %slice3A_58 = vector.extract_strided_slice %dot_general3A_56 {offsets = [0, 64], sizes = [577, 1], strides = [1, 1]} : vector<577x65xf32> to vector<577x1xf32>
    %div3A_59 = vector.broadcast %slice3A_58 : vector<577x1xf32> to vector<577x64xf32>
    %div3A_60 = arith.divf %slice3A_57, %div3A_59 : vector<577x64xf32>
    %swap3A = arith.constant 0 : index
    %swap3A_61 = arith.constant 0 : index
    %swap3A_62 = vector.load %arg13[%swap3A, %swap3A_61] : memref<577x768xf32, #tpu.memory_space<vmem>>, vector<577x64xf32>
    tpu.vector_store %arg13[%swap3A, %swap3A_61], %div3A_60 {strides = array<i32>} : memref<577x768xf32, #tpu.memory_space<vmem>>, vector<577x64xf32>,
    %slice3A_63 = vector.extract_strided_slice %dot_general3A_52 {offsets = [0, 0], sizes = [1, 577], strides = [1, 1]} : vector<577x577xf32> to vector<1x577xf32>
    %exp3A_64 = math.exp %slice3A_63 : vector<1x577xf32>
    %convert_element_type3A_65 = arith.truncf %exp3A_64 : vector<1x577xf32> to vector<1x577xbf16>
    %dot_general3A_66 = arith.constant dense<0.000000e+00> : vector<1x65xf32>
    %dot_general3A_67 = tpu.matmul %convert_element_type3A_65, %concatenate3A, %dot_general3A_66 {dimension_numbers = #tpu.dot_dimension_numbers<[1], [0], [0], [1], [0, 0, 1, 1], [], []>, transpose_lhs_hint = false} : vector<1x577xbf16>, vector<577x65xbf16>, vector<1x65xf32> -> vector<1x65xf32>
    %slice3A_68 = vector.extract_strided_slice %dot_general3A_67 {offsets = [0, 0], sizes = [1, 64], strides = [1, 1]} : vector<1x65xf32> to vector<1x64xf32>
    %slice3A_69 = vector.extract_strided_slice %dot_general3A_67 {offsets = [0, 64], sizes = [1, 1], strides = [1, 1]} : vector<1x65xf32> to vector<1x1xf32>
    %div3A_70 = vector.broadcast %slice3A_69 : vector<1x1xf32> to vector<1x64xf32>
    %div3A_71 = arith.divf %slice3A_68, %div3A_70 : vector<1x64xf32>
    %swap3A_72 = arith.constant 0 : index
    %swap3A_73 = arith.constant 0 : index
    %swap3A_74 = vector.load %arg13[%swap3A_72, %swap3A_73] : memref<577x768xf32, #tpu.memory_space<vmem>>, vector<1x64xf32>
    tpu.vector_store %arg13[%swap3A_72, %swap3A_73], %div3A_71 {strides = array<i32>} : memref<577x768xf32, #tpu.memory_space<vmem>>, vector<1x64xf32>,
    %slice3A_75 = vector.extract_strided_slice %add3A_37 {offsets = [0, 64], sizes = [577, 64], strides = [1, 1]} : vector<577x2304xf32> to vector<577x64xf32>
    %mul3A_76 = arith.constant 1.250000e-01 : f32
    %mul3A_77 = vector.broadcast %mul3A_76 : f32 to vector<577x64xf32>
    %mul3A_78 = arith.mulf %slice3A_75, %mul3A_77 : vector<577x64xf32>
    %convert_element_type3A_79 = arith.truncf %mul3A_78 : vector<577x64xf32> to vector<577x64xbf16>
    %slice3A_80 = vector.extract_strided_slice %add3A_37 {offsets = [0, 832], sizes = [577, 64], strides = [1, 1]} : vector<577x2304xf32> to vector<577x64xf32>
    %convert_element_type3A_81 = arith.truncf %slice3A_80 : vector<577x64xf32> to vector<577x64xbf16>
    %slice3A_82 = vector.extract_strided_slice %add3A_37 {offsets = [0, 1600], sizes = [577, 64], strides = [1, 1]} : vector<577x2304xf32> to vector<577x64xf32>
    %convert_element_type3A_83 = arith.truncf %slice3A_82 : vector<577x64xf32> to vector<577x64xbf16>
    %concatenate3A_84 = tpu.concatenate %convert_element_type3A_83, %broadcast_in_dim3A_42 in 1 : vector<577x64xbf16>, vector<577x1xbf16> -> vector<577x65xbf16>
    %dot_general3A_85 = arith.constant dense<0.000000e+00> : vector<577x577xf32>
    %dot_general3A_86 = tpu.matmul %convert_element_type3A_79, %convert_element_type3A_81, %dot_general3A_85 {dimension_numbers = #tpu.dot_dimension_numbers<[1], [1], [0], [0], [0, 0, 1, 0], [], []>, transpose_lhs_hint = false} : vector<577x64xbf16>, vector<577x64xbf16>, vector<577x577xf32> -> vector<577x577xf32>
    %exp3A_87 = math.exp %dot_general3A_86 : vector<577x577xf32>
    %mul3A_88 = arith.mulf %get3A_40, %exp3A_87 : vector<577x577xf32>
    %convert_element_type3A_89 = arith.truncf %mul3A_88 : vector<577x577xf32> to vector<577x577xbf16>
    %dot_general3A_90 = arith.constant dense<0.000000e+00> : vector<577x65xf32>
    %dot_general3A_91 = tpu.matmul %convert_element_type3A_89, %concatenate3A_84, %dot_general3A_90 {dimension_numbers = #tpu.dot_dimension_numbers<[1], [0], [0], [1], [0, 0, 1, 1], [], []>, transpose_lhs_hint = false} : vector<577x577xbf16>, vector<577x65xbf16>, vector<577x65xf32> -> vector<577x65xf32>
    %slice3A_92 = vector.extract_strided_slice %dot_general3A_91 {offsets = [0, 0], sizes = [577, 64], strides = [1, 1]} : vector<577x65xf32> to vector<577x64xf32>
    %slice3A_93 = vector.extract_strided_slice %dot_general3A_91 {offsets = [0, 64], sizes = [577, 1], strides = [1, 1]} : vector<577x65xf32> to vector<577x1xf32>
    %div3A_94 = vector.broadcast %slice3A_93 : vector<577x1xf32> to vector<577x64xf32>
    %div3A_95 = arith.divf %slice3A_92, %div3A_94 : vector<577x64xf32>
    %swap3A_96 = arith.constant 0 : index
    %swap3A_97 = arith.constant 64 : index
    %swap3A_98 = vector.load %arg13[%swap3A_96, %swap3A_97] : memref<577x768xf32, #tpu.memory_space<vmem>>, vector<577x64xf32>
    tpu.vector_store %arg13[%swap3A_96, %swap3A_97], %div3A_95 {strides = array<i32>} : memref<577x768xf32, #tpu.memory_space<vmem>>, vector<577x64xf32>,
    %slice3A_99 = vector.extract_strided_slice %dot_general3A_86 {offsets = [0, 0], sizes = [1, 577], strides = [1, 1]} : vector<577x577xf32> to vector<1x577xf32>
    %exp3A_100 = math.exp %slice3A_99 : vector<1x577xf32>
    %convert_element_type3A_101 = arith.truncf %exp3A_100 : vector<1x577xf32> to vector<1x577xbf16>
    %dot_general3A_102 = arith.constant dense<0.000000e+00> : vector<1x65xf32>
    %dot_general3A_103 = tpu.matmul %convert_element_type3A_101, %concatenate3A_84, %dot_general3A_102 {dimension_numbers = #tpu.dot_dimension_numbers<[1], [0], [0], [1], [0, 0, 1, 1], [], []>, transpose_lhs_hint = false} : vector<1x577xbf16>, vector<577x65xbf16>, vector<1x65xf32> -> vector<1x65xf32>
    %slice3A_104 = vector.extract_strided_slice %dot_general3A_103 {offsets = [0, 0], sizes = [1, 64], strides = [1, 1]} : vector<1x65xf32> to vector<1x64xf32>
    %slice3A_105 = vector.extract_strided_slice %dot_general3A_103 {offsets = [0, 64], sizes = [1, 1], strides = [1, 1]} : vector<1x65xf32> to vector<1x1xf32>
    %div3A_106 = vector.broadcast %slice3A_105 : vector<1x1xf32> to vector<1x64xf32>
    %div3A_107 = arith.divf %slice3A_104, %div3A_106 : vector<1x64xf32>
    %swap3A_108 = arith.constant 0 : index
    %swap3A_109 = arith.constant 64 : index
    %swap3A_110 = vector.load %arg13[%swap3A_108, %swap3A_109] : memref<577x768xf32, #tpu.memory_space<vmem>>, vector<1x64xf32>
    tpu.vector_store %arg13[%swap3A_108, %swap3A_109], %div3A_107 {strides = array<i32>} : memref<577x768xf32, #tpu.memory_space<vmem>>, vector<1x64xf32>,
    %slice3A_111 = vector.extract_strided_slice %add3A_37 {offsets = [0, 128], sizes = [577, 64], strides = [1, 1]} : vector<577x2304xf32> to vector<577x64xf32>
    %mul3A_112 = arith.constant 1.250000e-01 : f32
    %mul3A_113 = vector.broadcast %mul3A_112 : f32 to vector<577x64xf32>
    %mul3A_114 = arith.mulf %slice3A_111, %mul3A_113 : vector<577x64xf32>
    %convert_element_type3A_115 = arith.truncf %mul3A_114 : vector<577x64xf32> to vector<577x64xbf16>
    %slice3A_116 = vector.extract_strided_slice %add3A_37 {offsets = [0, 896], sizes = [577, 64], strides = [1, 1]} : vector<577x2304xf32> to vector<577x64xf32>
    %convert_element_type3A_117 = arith.truncf %slice3A_116 : vector<577x64xf32> to vector<577x64xbf16>
    %slice3A_118 = vector.extract_strided_slice %add3A_37 {offsets = [0, 1664], sizes = [577, 64], strides = [1, 1]} : vector<577x2304xf32> to vector<577x64xf32>
    %convert_element_type3A_119 = arith.truncf %slice3A_118 : vector<577x64xf32> to vector<577x64xbf16>
    %concatenate3A_120 = tpu.concatenate %convert_element_type3A_119, %broadcast_in_dim3A_42 in 1 : vector<577x64xbf16>, vector<577x1xbf16> -> vector<577x65xbf16>
    %dot_general3A_121 = arith.constant dense<0.000000e+00> : vector<577x577xf32>
    %dot_general3A_122 = tpu.matmul %convert_element_type3A_115, %convert_element_type3A_117, %dot_general3A_121 {dimension_numbers = #tpu.dot_dimension_numbers<[1], [1], [0], [0], [0, 0, 1, 0], [], []>, transpose_lhs_hint = false} : vector<577x64xbf16>, vector<577x64xbf16>, vector<577x577xf32> -> vector<577x577xf32>
    %exp3A_123 = math.exp %dot_general3A_122 : vector<577x577xf32>
    %mul3A_124 = arith.mulf %get3A_40, %exp3A_123 : vector<577x577xf32>
    %convert_element_type3A_125 = arith.truncf %mul3A_124 : vector<577x577xf32> to vector<577x577xbf16>
    %dot_general3A_126 = arith.constant dense<0.000000e+00> : vector<577x65xf32>
    %dot_general3A_127 = tpu.matmul %convert_element_type3A_125, %concatenate3A_120, %dot_general3A_126 {dimension_numbers = #tpu.dot_dimension_numbers<[1], [0], [0], [1], [0, 0, 1, 1], [], []>, transpose_lhs_hint = false} : vector<577x577xbf16>, vector<577x65xbf16>, vector<577x65xf32> -> vector<577x65xf32>
    %slice3A_128 = vector.extract_strided_slice %dot_general3A_127 {offsets = [0, 0], sizes = [577, 64], strides = [1, 1]} : vector<577x65xf32> to vector<577x64xf32>
    %slice3A_129 = vector.extract_strided_slice %dot_general3A_127 {offsets = [0, 64], sizes = [577, 1], strides = [1, 1]} : vector<577x65xf32> to vector<577x1xf32>
    %div3A_130 = vector.broadcast %slice3A_129 : vector<577x1xf32> to vector<577x64xf32>
    %div3A_131 = arith.divf %slice3A_128, %div3A_130 : vector<577x64xf32>
    %swap3A_132 = arith.constant 0 : index
    %swap3A_133 = arith.constant 128 : index
    %swap3A_134 = vector.load %arg13[%swap3A_132, %swap3A_133] : memref<577x768xf32, #tpu.memory_space<vmem>>, vector<577x64xf32>
    tpu.vector_store %arg13[%swap3A_132, %swap3A_133], %div3A_131 {strides = array<i32>} : memref<577x768xf32, #tpu.memory_space<vmem>>, vector<577x64xf32>,
    %slice3A_135 = vector.extract_strided_slice %dot_general3A_122 {offsets = [0, 0], sizes = [1, 577], strides = [1, 1]} : vector<577x577xf32> to vector<1x577xf32>
    %exp3A_136 = math.exp %slice3A_135 : vector<1x577xf32>
    %convert_element_type3A_137 = arith.truncf %exp3A_136 : vector<1x577xf32> to vector<1x577xbf16>
    %dot_general3A_138 = arith.constant dense<0.000000e+00> : vector<1x65xf32>
    %dot_general3A_139 = tpu.matmul %convert_element_type3A_137, %concatenate3A_120, %dot_general3A_138 {dimension_numbers = #tpu.dot_dimension_numbers<[1], [0], [0], [1], [0, 0, 1, 1], [], []>, transpose_lhs_hint = false} : vector<1x577xbf16>, vector<577x65xbf16>, vector<1x65xf32> -> vector<1x65xf32>
    %slice3A_140 = vector.extract_strided_slice %dot_general3A_139 {offsets = [0, 0], sizes = [1, 64], strides = [1, 1]} : vector<1x65xf32> to vector<1x64xf32>
    %slice3A_141 = vector.extract_strided_slice %dot_general3A_139 {offsets = [0, 64], sizes = [1, 1], strides = [1, 1]} : vector<1x65xf32> to vector<1x1xf32>
    %div3A_142 = vector.broadcast %slice3A_141 : vector<1x1xf32> to vector<1x64xf32>
    %div3A_143 = arith.divf %slice3A_140, %div3A_142 : vector<1x64xf32>
    %swap3A_144 = arith.constant 0 : index
    %swap3A_145 = arith.constant 128 : index
    %swap3A_146 = vector.load %arg13[%swap3A_144, %swap3A_145] : memref<577x768xf32, #tpu.memory_space<vmem>>, vector<1x64xf32>
    tpu.vector_store %arg13[%swap3A_144, %swap3A_145], %div3A_143 {strides = array<i32>} : memref<577x768xf32, #tpu.memory_space<vmem>>, vector<1x64xf32>,
    %slice3A_147 = vector.extract_strided_slice %add3A_37 {offsets = [0, 192], sizes = [577, 64], strides = [1, 1]} : vector<577x2304xf32> to vector<577x64xf32>
    %mul3A_148 = arith.constant 1.250000e-01 : f32
    %mul3A_149 = vector.broadcast %mul3A_148 : f32 to vector<577x64xf32>
    %mul3A_150 = arith.mulf %slice3A_147, %mul3A_149 : vector<577x64xf32>
    %convert_element_type3A_151 = arith.truncf %mul3A_150 : vector<577x64xf32> to vector<577x64xbf16>
    %slice3A_152 = vector.extract_strided_slice %add3A_37 {offsets = [0, 960], sizes = [577, 64], strides = [1, 1]} : vector<577x2304xf32> to vector<577x64xf32>
    %convert_element_type3A_153 = arith.truncf %slice3A_152 : vector<577x64xf32> to vector<577x64xbf16>
    %slice3A_154 = vector.extract_strided_slice %add3A_37 {offsets = [0, 1728], sizes = [577, 64], strides = [1, 1]} : vector<577x2304xf32> to vector<577x64xf32>
    %convert_element_type3A_155 = arith.truncf %slice3A_154 : vector<577x64xf32> to vector<577x64xbf16>
    %concatenate3A_156 = tpu.concatenate %convert_element_type3A_155, %broadcast_in_dim3A_42 in 1 : vector<577x64xbf16>, vector<577x1xbf16> -> vector<577x65xbf16>
    %dot_general3A_157 = arith.constant dense<0.000000e+00> : vector<577x577xf32>
    %dot_general3A_158 = tpu.matmul %convert_element_type3A_151, %convert_element_type3A_153, %dot_general3A_157 {dimension_numbers = #tpu.dot_dimension_numbers<[1], [1], [0], [0], [0, 0, 1, 0], [], []>, transpose_lhs_hint = false} : vector<577x64xbf16>, vector<577x64xbf16>, vector<577x577xf32> -> vector<577x577xf32>
    %exp3A_159 = math.exp %dot_general3A_158 : vector<577x577xf32>
    %mul3A_160 = arith.mulf %get3A_40, %exp3A_159 : vector<577x577xf32>
    %convert_element_type3A_161 = arith.truncf %mul3A_160 : vector<577x577xf32> to vector<577x577xbf16>
    %dot_general3A_162 = arith.constant dense<0.000000e+00> : vector<577x65xf32>
    %dot_general3A_163 = tpu.matmul %convert_element_type3A_161, %concatenate3A_156, %dot_general3A_162 {dimension_numbers = #tpu.dot_dimension_numbers<[1], [0], [0], [1], [0, 0, 1, 1], [], []>, transpose_lhs_hint = false} : vector<577x577xbf16>, vector<577x65xbf16>, vector<577x65xf32> -> vector<577x65xf32>
    %slice3A_164 = vector.extract_strided_slice %dot_general3A_163 {offsets = [0, 0], sizes = [577, 64], strides = [1, 1]} : vector<577x65xf32> to vector<577x64xf32>
    %slice3A_165 = vector.extract_strided_slice %dot_general3A_163 {offsets = [0, 64], sizes = [577, 1], strides = [1, 1]} : vector<577x65xf32> to vector<577x1xf32>
    %div3A_166 = vector.broadcast %slice3A_165 : vector<577x1xf32> to vector<577x64xf32>
    %div3A_167 = arith.divf %slice3A_164, %div3A_166 : vector<577x64xf32>
    %swap3A_168 = arith.constant 0 : index
    %swap3A_169 = arith.constant 192 : index
    %swap3A_170 = vector.load %arg13[%swap3A_168, %swap3A_169] : memref<577x768xf32, #tpu.memory_space<vmem>>, vector<577x64xf32>
    tpu.vector_store %arg13[%swap3A_168, %swap3A_169], %div3A_167 {strides = array<i32>} : memref<577x768xf32, #tpu.memory_space<vmem>>, vector<577x64xf32>,
    %slice3A_171 = vector.extract_strided_slice %dot_general3A_158 {offsets = [0, 0], sizes = [1, 577], strides = [1, 1]} : vector<577x577xf32> to vector<1x577xf32>
    %exp3A_172 = math.exp %slice3A_171 : vector<1x577xf32>
    %convert_element_type3A_173 = arith.truncf %exp3A_172 : vector<1x577xf32> to vector<1x577xbf16>
    %dot_general3A_174 = arith.constant dense<0.000000e+00> : vector<1x65xf32>
    %dot_general3A_175 = tpu.matmul %convert_element_type3A_173, %concatenate3A_156, %dot_general3A_174 {dimension_numbers = #tpu.dot_dimension_numbers<[1], [0], [0], [1], [0, 0, 1, 1], [], []>, transpose_lhs_hint = false} : vector<1x577xbf16>, vector<577x65xbf16>, vector<1x65xf32> -> vector<1x65xf32>
    %slice3A_176 = vector.extract_strided_slice %dot_general3A_175 {offsets = [0, 0], sizes = [1, 64], strides = [1, 1]} : vector<1x65xf32> to vector<1x64xf32>
    %slice3A_177 = vector.extract_strided_slice %dot_general3A_175 {offsets = [0, 64], sizes = [1, 1], strides = [1, 1]} : vector<1x65xf32> to vector<1x1xf32>
    %div3A_178 = vector.broadcast %slice3A_177 : vector<1x1xf32> to vector<1x64xf32>
    %div3A_179 = arith.divf %slice3A_176, %div3A_178 : vector<1x64xf32>
    %swap3A_180 = arith.constant 0 : index
    %swap3A_181 = arith.constant 192 : index
    %swap3A_182 = vector.load %arg13[%swap3A_180, %swap3A_181] : memref<577x768xf32, #tpu.memory_space<vmem>>, vector<1x64xf32>
    tpu.vector_store %arg13[%swap3A_180, %swap3A_181], %div3A_179 {strides = array<i32>} : memref<577x768xf32, #tpu.memory_space<vmem>>, vector<1x64xf32>,
    %slice3A_183 = vector.extract_strided_slice %add3A_37 {offsets = [0, 256], sizes = [577, 64], strides = [1, 1]} : vector<577x2304xf32> to vector<577x64xf32>
    %mul3A_184 = arith.constant 1.250000e-01 : f32
    %mul3A_185 = vector.broadcast %mul3A_184 : f32 to vector<577x64xf32>
    %mul3A_186 = arith.mulf %slice3A_183, %mul3A_185 : vector<577x64xf32>
    %convert_element_type3A_187 = arith.truncf %mul3A_186 : vector<577x64xf32> to vector<577x64xbf16>
    %slice3A_188 = vector.extract_strided_slice %add3A_37 {offsets = [0, 1024], sizes = [577, 64], strides = [1, 1]} : vector<577x2304xf32> to vector<577x64xf32>
    %convert_element_type3A_189 = arith.truncf %slice3A_188 : vector<577x64xf32> to vector<577x64xbf16>
    %slice3A_190 = vector.extract_strided_slice %add3A_37 {offsets = [0, 1792], sizes = [577, 64], strides = [1, 1]} : vector<577x2304xf32> to vector<577x64xf32>
    %convert_element_type3A_191 = arith.truncf %slice3A_190 : vector<577x64xf32> to vector<577x64xbf16>
    %concatenate3A_192 = tpu.concatenate %convert_element_type3A_191, %broadcast_in_dim3A_42 in 1 : vector<577x64xbf16>, vector<577x1xbf16> -> vector<577x65xbf16>
    %dot_general3A_193 = arith.constant dense<0.000000e+00> : vector<577x577xf32>
    %dot_general3A_194 = tpu.matmul %convert_element_type3A_187, %convert_element_type3A_189, %dot_general3A_193 {dimension_numbers = #tpu.dot_dimension_numbers<[1], [1], [0], [0], [0, 0, 1, 0], [], []>, transpose_lhs_hint = false} : vector<577x64xbf16>, vector<577x64xbf16>, vector<577x577xf32> -> vector<577x577xf32>
    %exp3A_195 = math.exp %dot_general3A_194 : vector<577x577xf32>
    %mul3A_196 = arith.mulf %get3A_40, %exp3A_195 : vector<577x577xf32>
    %convert_element_type3A_197 = arith.truncf %mul3A_196 : vector<577x577xf32> to vector<577x577xbf16>
    %dot_general3A_198 = arith.constant dense<0.000000e+00> : vector<577x65xf32>
    %dot_general3A_199 = tpu.matmul %convert_element_type3A_197, %concatenate3A_192, %dot_general3A_198 {dimension_numbers = #tpu.dot_dimension_numbers<[1], [0], [0], [1], [0, 0, 1, 1], [], []>, transpose_lhs_hint = false} : vector<577x577xbf16>, vector<577x65xbf16>, vector<577x65xf32> -> vector<577x65xf32>
    %slice3A_200 = vector.extract_strided_slice %dot_general3A_199 {offsets = [0, 0], sizes = [577, 64], strides = [1, 1]} : vector<577x65xf32> to vector<577x64xf32>
    %slice3A_201 = vector.extract_strided_slice %dot_general3A_199 {offsets = [0, 64], sizes = [577, 1], strides = [1, 1]} : vector<577x65xf32> to vector<577x1xf32>
    %div3A_202 = vector.broadcast %slice3A_201 : vector<577x1xf32> to vector<577x64xf32>
    %div3A_203 = arith.divf %slice3A_200, %div3A_202 : vector<577x64xf32>
    %swap3A_204 = arith.constant 0 : index
    %swap3A_205 = arith.constant 256 : index
    %swap3A_206 = vector.load %arg13[%swap3A_204, %swap3A_205] : memref<577x768xf32, #tpu.memory_space<vmem>>, vector<577x64xf32>
    tpu.vector_store %arg13[%swap3A_204, %swap3A_205], %div3A_203 {strides = array<i32>} : memref<577x768xf32, #tpu.memory_space<vmem>>, vector<577x64xf32>,
    %slice3A_207 = vector.extract_strided_slice %dot_general3A_194 {offsets = [0, 0], sizes = [1, 577], strides = [1, 1]} : vector<577x577xf32> to vector<1x577xf32>
    %exp3A_208 = math.exp %slice3A_207 : vector<1x577xf32>
    %convert_element_type3A_209 = arith.truncf %exp3A_208 : vector<1x577xf32> to vector<1x577xbf16>
    %dot_general3A_210 = arith.constant dense<0.000000e+00> : vector<1x65xf32>
    %dot_general3A_211 = tpu.matmul %convert_element_type3A_209, %concatenate3A_192, %dot_general3A_210 {dimension_numbers = #tpu.dot_dimension_numbers<[1], [0], [0], [1], [0, 0, 1, 1], [], []>, transpose_lhs_hint = false} : vector<1x577xbf16>, vector<577x65xbf16>, vector<1x65xf32> -> vector<1x65xf32>
    %slice3A_212 = vector.extract_strided_slice %dot_general3A_211 {offsets = [0, 0], sizes = [1, 64], strides = [1, 1]} : vector<1x65xf32> to vector<1x64xf32>
    %slice3A_213 = vector.extract_strided_slice %dot_general3A_211 {offsets = [0, 64], sizes = [1, 1], strides = [1, 1]} : vector<1x65xf32> to vector<1x1xf32>
    %div3A_214 = vector.broadcast %slice3A_213 : vector<1x1xf32> to vector<1x64xf32>
    %div3A_215 = arith.divf %slice3A_212, %div3A_214 : vector<1x64xf32>
    %swap3A_216 = arith.constant 0 : index
    %swap3A_217 = arith.constant 256 : index
    %swap3A_218 = vector.load %arg13[%swap3A_216, %swap3A_217] : memref<577x768xf32, #tpu.memory_space<vmem>>, vector<1x64xf32>
    tpu.vector_store %arg13[%swap3A_216, %swap3A_217], %div3A_215 {strides = array<i32>} : memref<577x768xf32, #tpu.memory_space<vmem>>, vector<1x64xf32>,
    %slice3A_219 = vector.extract_strided_slice %add3A_37 {offsets = [0, 320], sizes = [577, 64], strides = [1, 1]} : vector<577x2304xf32> to vector<577x64xf32>
    %mul3A_220 = arith.constant 1.250000e-01 : f32
    %mul3A_221 = vector.broadcast %mul3A_220 : f32 to vector<577x64xf32>
    %mul3A_222 = arith.mulf %slice3A_219, %mul3A_221 : vector<577x64xf32>
    %convert_element_type3A_223 = arith.truncf %mul3A_222 : vector<577x64xf32> to vector<577x64xbf16>
    %slice3A_224 = vector.extract_strided_slice %add3A_37 {offsets = [0, 1088], sizes = [577, 64], strides = [1, 1]} : vector<577x2304xf32> to vector<577x64xf32>
    %convert_element_type3A_225 = arith.truncf %slice3A_224 : vector<577x64xf32> to vector<577x64xbf16>
    %slice3A_226 = vector.extract_strided_slice %add3A_37 {offsets = [0, 1856], sizes = [577, 64], strides = [1, 1]} : vector<577x2304xf32> to vector<577x64xf32>
    %convert_element_type3A_227 = arith.truncf %slice3A_226 : vector<577x64xf32> to vector<577x64xbf16>
    %concatenate3A_228 = tpu.concatenate %convert_element_type3A_227, %broadcast_in_dim3A_42 in 1 : vector<577x64xbf16>, vector<577x1xbf16> -> vector<577x65xbf16>
    %dot_general3A_229 = arith.constant dense<0.000000e+00> : vector<577x577xf32>
    %dot_general3A_230 = tpu.matmul %convert_element_type3A_223, %convert_element_type3A_225, %dot_general3A_229 {dimension_numbers = #tpu.dot_dimension_numbers<[1], [1], [0], [0], [0, 0, 1, 0], [], []>, transpose_lhs_hint = false} : vector<577x64xbf16>, vector<577x64xbf16>, vector<577x577xf32> -> vector<577x577xf32>
    %exp3A_231 = math.exp %dot_general3A_230 : vector<577x577xf32>
    %mul3A_232 = arith.mulf %get3A_40, %exp3A_231 : vector<577x577xf32>
    %convert_element_type3A_233 = arith.truncf %mul3A_232 : vector<577x577xf32> to vector<577x577xbf16>
    %dot_general3A_234 = arith.constant dense<0.000000e+00> : vector<577x65xf32>
    %dot_general3A_235 = tpu.matmul %convert_element_type3A_233, %concatenate3A_228, %dot_general3A_234 {dimension_numbers = #tpu.dot_dimension_numbers<[1], [0], [0], [1], [0, 0, 1, 1], [], []>, transpose_lhs_hint = false} : vector<577x577xbf16>, vector<577x65xbf16>, vector<577x65xf32> -> vector<577x65xf32>
    %slice3A_236 = vector.extract_strided_slice %dot_general3A_235 {offsets = [0, 0], sizes = [577, 64], strides = [1, 1]} : vector<577x65xf32> to vector<577x64xf32>
    %slice3A_237 = vector.extract_strided_slice %dot_general3A_235 {offsets = [0, 64], sizes = [577, 1], strides = [1, 1]} : vector<577x65xf32> to vector<577x1xf32>
    %div3A_238 = vector.broadcast %slice3A_237 : vector<577x1xf32> to vector<577x64xf32>
    %div3A_239 = arith.divf %slice3A_236, %div3A_238 : vector<577x64xf32>
    %swap3A_240 = arith.constant 0 : index
    %swap3A_241 = arith.constant 320 : index
    %swap3A_242 = vector.load %arg13[%swap3A_240, %swap3A_241] : memref<577x768xf32, #tpu.memory_space<vmem>>, vector<577x64xf32>
    tpu.vector_store %arg13[%swap3A_240, %swap3A_241], %div3A_239 {strides = array<i32>} : memref<577x768xf32, #tpu.memory_space<vmem>>, vector<577x64xf32>,
    %slice3A_243 = vector.extract_strided_slice %dot_general3A_230 {offsets = [0, 0], sizes = [1, 577], strides = [1, 1]} : vector<577x577xf32> to vector<1x577xf32>
    %exp3A_244 = math.exp %slice3A_243 : vector<1x577xf32>
    %convert_element_type3A_245 = arith.truncf %exp3A_244 : vector<1x577xf32> to vector<1x577xbf16>
    %dot_general3A_246 = arith.constant dense<0.000000e+00> : vector<1x65xf32>
    %dot_general3A_247 = tpu.matmul %convert_element_type3A_245, %concatenate3A_228, %dot_general3A_246 {dimension_numbers = #tpu.dot_dimension_numbers<[1], [0], [0], [1], [0, 0, 1, 1], [], []>, transpose_lhs_hint = false} : vector<1x577xbf16>, vector<577x65xbf16>, vector<1x65xf32> -> vector<1x65xf32>
    %slice3A_248 = vector.extract_strided_slice %dot_general3A_247 {offsets = [0, 0], sizes = [1, 64], strides = [1, 1]} : vector<1x65xf32> to vector<1x64xf32>
    %slice3A_249 = vector.extract_strided_slice %dot_general3A_247 {offsets = [0, 64], sizes = [1, 1], strides = [1, 1]} : vector<1x65xf32> to vector<1x1xf32>
    %div3A_250 = vector.broadcast %slice3A_249 : vector<1x1xf32> to vector<1x64xf32>
    %div3A_251 = arith.divf %slice3A_248, %div3A_250 : vector<1x64xf32>
    %swap3A_252 = arith.constant 0 : index
    %swap3A_253 = arith.constant 320 : index
    %swap3A_254 = vector.load %arg13[%swap3A_252, %swap3A_253] : memref<577x768xf32, #tpu.memory_space<vmem>>, vector<1x64xf32>
    tpu.vector_store %arg13[%swap3A_252, %swap3A_253], %div3A_251 {strides = array<i32>} : memref<577x768xf32, #tpu.memory_space<vmem>>, vector<1x64xf32>,
    %slice3A_255 = vector.extract_strided_slice %add3A_37 {offsets = [0, 384], sizes = [577, 64], strides = [1, 1]} : vector<577x2304xf32> to vector<577x64xf32>
    %mul3A_256 = arith.constant 1.250000e-01 : f32
    %mul3A_257 = vector.broadcast %mul3A_256 : f32 to vector<577x64xf32>
    %mul3A_258 = arith.mulf %slice3A_255, %mul3A_257 : vector<577x64xf32>
    %convert_element_type3A_259 = arith.truncf %mul3A_258 : vector<577x64xf32> to vector<577x64xbf16>
    %slice3A_260 = vector.extract_strided_slice %add3A_37 {offsets = [0, 1152], sizes = [577, 64], strides = [1, 1]} : vector<577x2304xf32> to vector<577x64xf32>
    %convert_element_type3A_261 = arith.truncf %slice3A_260 : vector<577x64xf32> to vector<577x64xbf16>
    %slice3A_262 = vector.extract_strided_slice %add3A_37 {offsets = [0, 1920], sizes = [577, 64], strides = [1, 1]} : vector<577x2304xf32> to vector<577x64xf32>
    %convert_element_type3A_263 = arith.truncf %slice3A_262 : vector<577x64xf32> to vector<577x64xbf16>
    %concatenate3A_264 = tpu.concatenate %convert_element_type3A_263, %broadcast_in_dim3A_42 in 1 : vector<577x64xbf16>, vector<577x1xbf16> -> vector<577x65xbf16>
    %dot_general3A_265 = arith.constant dense<0.000000e+00> : vector<577x577xf32>
    %dot_general3A_266 = tpu.matmul %convert_element_type3A_259, %convert_element_type3A_261, %dot_general3A_265 {dimension_numbers = #tpu.dot_dimension_numbers<[1], [1], [0], [0], [0, 0, 1, 0], [], []>, transpose_lhs_hint = false} : vector<577x64xbf16>, vector<577x64xbf16>, vector<577x577xf32> -> vector<577x577xf32>
    %exp3A_267 = math.exp %dot_general3A_266 : vector<577x577xf32>
    %mul3A_268 = arith.mulf %get3A_40, %exp3A_267 : vector<577x577xf32>
    %convert_element_type3A_269 = arith.truncf %mul3A_268 : vector<577x577xf32> to vector<577x577xbf16>
    %dot_general3A_270 = arith.constant dense<0.000000e+00> : vector<577x65xf32>
    %dot_general3A_271 = tpu.matmul %convert_element_type3A_269, %concatenate3A_264, %dot_general3A_270 {dimension_numbers = #tpu.dot_dimension_numbers<[1], [0], [0], [1], [0, 0, 1, 1], [], []>, transpose_lhs_hint = false} : vector<577x577xbf16>, vector<577x65xbf16>, vector<577x65xf32> -> vector<577x65xf32>
    %slice3A_272 = vector.extract_strided_slice %dot_general3A_271 {offsets = [0, 0], sizes = [577, 64], strides = [1, 1]} : vector<577x65xf32> to vector<577x64xf32>
    %slice3A_273 = vector.extract_strided_slice %dot_general3A_271 {offsets = [0, 64], sizes = [577, 1], strides = [1, 1]} : vector<577x65xf32> to vector<577x1xf32>
    %div3A_274 = vector.broadcast %slice3A_273 : vector<577x1xf32> to vector<577x64xf32>
    %div3A_275 = arith.divf %slice3A_272, %div3A_274 : vector<577x64xf32>
    %swap3A_276 = arith.constant 0 : index
    %swap3A_277 = arith.constant 384 : index
    %swap3A_278 = vector.load %arg13[%swap3A_276, %swap3A_277] : memref<577x768xf32, #tpu.memory_space<vmem>>, vector<577x64xf32>
    tpu.vector_store %arg13[%swap3A_276, %swap3A_277], %div3A_275 {strides = array<i32>} : memref<577x768xf32, #tpu.memory_space<vmem>>, vector<577x64xf32>,
    %slice3A_279 = vector.extract_strided_slice %dot_general3A_266 {offsets = [0, 0], sizes = [1, 577], strides = [1, 1]} : vector<577x577xf32> to vector<1x577xf32>
    %exp3A_280 = math.exp %slice3A_279 : vector<1x577xf32>
    %convert_element_type3A_281 = arith.truncf %exp3A_280 : vector<1x577xf32> to vector<1x577xbf16>
    %dot_general3A_282 = arith.constant dense<0.000000e+00> : vector<1x65xf32>
    %dot_general3A_283 = tpu.matmul %convert_element_type3A_281, %concatenate3A_264, %dot_general3A_282 {dimension_numbers = #tpu.dot_dimension_numbers<[1], [0], [0], [1], [0, 0, 1, 1], [], []>, transpose_lhs_hint = false} : vector<1x577xbf16>, vector<577x65xbf16>, vector<1x65xf32> -> vector<1x65xf32>
    %slice3A_284 = vector.extract_strided_slice %dot_general3A_283 {offsets = [0, 0], sizes = [1, 64], strides = [1, 1]} : vector<1x65xf32> to vector<1x64xf32>
    %slice3A_285 = vector.extract_strided_slice %dot_general3A_283 {offsets = [0, 64], sizes = [1, 1], strides = [1, 1]} : vector<1x65xf32> to vector<1x1xf32>
    %div3A_286 = vector.broadcast %slice3A_285 : vector<1x1xf32> to vector<1x64xf32>
    %div3A_287 = arith.divf %slice3A_284, %div3A_286 : vector<1x64xf32>
    %swap3A_288 = arith.constant 0 : index
    %swap3A_289 = arith.constant 384 : index
    %swap3A_290 = vector.load %arg13[%swap3A_288, %swap3A_289] : memref<577x768xf32, #tpu.memory_space<vmem>>, vector<1x64xf32>
    tpu.vector_store %arg13[%swap3A_288, %swap3A_289], %div3A_287 {strides = array<i32>} : memref<577x768xf32, #tpu.memory_space<vmem>>, vector<1x64xf32>,
    %slice3A_291 = vector.extract_strided_slice %add3A_37 {offsets = [0, 448], sizes = [577, 64], strides = [1, 1]} : vector<577x2304xf32> to vector<577x64xf32>
    %mul3A_292 = arith.constant 1.250000e-01 : f32
    %mul3A_293 = vector.broadcast %mul3A_292 : f32 to vector<577x64xf32>
    %mul3A_294 = arith.mulf %slice3A_291, %mul3A_293 : vector<577x64xf32>
    %convert_element_type3A_295 = arith.truncf %mul3A_294 : vector<577x64xf32> to vector<577x64xbf16>
    %slice3A_296 = vector.extract_strided_slice %add3A_37 {offsets = [0, 1216], sizes = [577, 64], strides = [1, 1]} : vector<577x2304xf32> to vector<577x64xf32>
    %convert_element_type3A_297 = arith.truncf %slice3A_296 : vector<577x64xf32> to vector<577x64xbf16>
    %slice3A_298 = vector.extract_strided_slice %add3A_37 {offsets = [0, 1984], sizes = [577, 64], strides = [1, 1]} : vector<577x2304xf32> to vector<577x64xf32>
    %convert_element_type3A_299 = arith.truncf %slice3A_298 : vector<577x64xf32> to vector<577x64xbf16>
    %concatenate3A_300 = tpu.concatenate %convert_element_type3A_299, %broadcast_in_dim3A_42 in 1 : vector<577x64xbf16>, vector<577x1xbf16> -> vector<577x65xbf16>
    %dot_general3A_301 = arith.constant dense<0.000000e+00> : vector<577x577xf32>
    %dot_general3A_302 = tpu.matmul %convert_element_type3A_295, %convert_element_type3A_297, %dot_general3A_301 {dimension_numbers = #tpu.dot_dimension_numbers<[1], [1], [0], [0], [0, 0, 1, 0], [], []>, transpose_lhs_hint = false} : vector<577x64xbf16>, vector<577x64xbf16>, vector<577x577xf32> -> vector<577x577xf32>
    %exp3A_303 = math.exp %dot_general3A_302 : vector<577x577xf32>
    %mul3A_304 = arith.mulf %get3A_40, %exp3A_303 : vector<577x577xf32>
    %convert_element_type3A_305 = arith.truncf %mul3A_304 : vector<577x577xf32> to vector<577x577xbf16>
    %dot_general3A_306 = arith.constant dense<0.000000e+00> : vector<577x65xf32>
    %dot_general3A_307 = tpu.matmul %convert_element_type3A_305, %concatenate3A_300, %dot_general3A_306 {dimension_numbers = #tpu.dot_dimension_numbers<[1], [0], [0], [1], [0, 0, 1, 1], [], []>, transpose_lhs_hint = false} : vector<577x577xbf16>, vector<577x65xbf16>, vector<577x65xf32> -> vector<577x65xf32>
    %slice3A_308 = vector.extract_strided_slice %dot_general3A_307 {offsets = [0, 0], sizes = [577, 64], strides = [1, 1]} : vector<577x65xf32> to vector<577x64xf32>
    %slice3A_309 = vector.extract_strided_slice %dot_general3A_307 {offsets = [0, 64], sizes = [577, 1], strides = [1, 1]} : vector<577x65xf32> to vector<577x1xf32>
    %div3A_310 = vector.broadcast %slice3A_309 : vector<577x1xf32> to vector<577x64xf32>
    %div3A_311 = arith.divf %slice3A_308, %div3A_310 : vector<577x64xf32>
    %swap3A_312 = arith.constant 0 : index
    %swap3A_313 = arith.constant 448 : index
    %swap3A_314 = vector.load %arg13[%swap3A_312, %swap3A_313] : memref<577x768xf32, #tpu.memory_space<vmem>>, vector<577x64xf32>
    tpu.vector_store %arg13[%swap3A_312, %swap3A_313], %div3A_311 {strides = array<i32>} : memref<577x768xf32, #tpu.memory_space<vmem>>, vector<577x64xf32>,
    %slice3A_315 = vector.extract_strided_slice %dot_general3A_302 {offsets = [0, 0], sizes = [1, 577], strides = [1, 1]} : vector<577x577xf32> to vector<1x577xf32>
    %exp3A_316 = math.exp %slice3A_315 : vector<1x577xf32>
    %convert_element_type3A_317 = arith.truncf %exp3A_316 : vector<1x577xf32> to vector<1x577xbf16>
    %dot_general3A_318 = arith.constant dense<0.000000e+00> : vector<1x65xf32>
    %dot_general3A_319 = tpu.matmul %convert_element_type3A_317, %concatenate3A_300, %dot_general3A_318 {dimension_numbers = #tpu.dot_dimension_numbers<[1], [0], [0], [1], [0, 0, 1, 1], [], []>, transpose_lhs_hint = false} : vector<1x577xbf16>, vector<577x65xbf16>, vector<1x65xf32> -> vector<1x65xf32>
    %slice3A_320 = vector.extract_strided_slice %dot_general3A_319 {offsets = [0, 0], sizes = [1, 64], strides = [1, 1]} : vector<1x65xf32> to vector<1x64xf32>
    %slice3A_321 = vector.extract_strided_slice %dot_general3A_319 {offsets = [0, 64], sizes = [1, 1], strides = [1, 1]} : vector<1x65xf32> to vector<1x1xf32>
    %div3A_322 = vector.broadcast %slice3A_321 : vector<1x1xf32> to vector<1x64xf32>
    %div3A_323 = arith.divf %slice3A_320, %div3A_322 : vector<1x64xf32>
    %swap3A_324 = arith.constant 0 : index
    %swap3A_325 = arith.constant 448 : index
    %swap3A_326 = vector.load %arg13[%swap3A_324, %swap3A_325] : memref<577x768xf32, #tpu.memory_space<vmem>>, vector<1x64xf32>
    tpu.vector_store %arg13[%swap3A_324, %swap3A_325], %div3A_323 {strides = array<i32>} : memref<577x768xf32, #tpu.memory_space<vmem>>, vector<1x64xf32>,
    %slice3A_327 = vector.extract_strided_slice %add3A_37 {offsets = [0, 512], sizes = [577, 64], strides = [1, 1]} : vector<577x2304xf32> to vector<577x64xf32>
    %mul3A_328 = arith.constant 1.250000e-01 : f32
    %mul3A_329 = vector.broadcast %mul3A_328 : f32 to vector<577x64xf32>
    %mul3A_330 = arith.mulf %slice3A_327, %mul3A_329 : vector<577x64xf32>
    %convert_element_type3A_331 = arith.truncf %mul3A_330 : vector<577x64xf32> to vector<577x64xbf16>
    %slice3A_332 = vector.extract_strided_slice %add3A_37 {offsets = [0, 1280], sizes = [577, 64], strides = [1, 1]} : vector<577x2304xf32> to vector<577x64xf32>
    %convert_element_type3A_333 = arith.truncf %slice3A_332 : vector<577x64xf32> to vector<577x64xbf16>
    %slice3A_334 = vector.extract_strided_slice %add3A_37 {offsets = [0, 2048], sizes = [577, 64], strides = [1, 1]} : vector<577x2304xf32> to vector<577x64xf32>
    %convert_element_type3A_335 = arith.truncf %slice3A_334 : vector<577x64xf32> to vector<577x64xbf16>
    %concatenate3A_336 = tpu.concatenate %convert_element_type3A_335, %broadcast_in_dim3A_42 in 1 : vector<577x64xbf16>, vector<577x1xbf16> -> vector<577x65xbf16>
    %dot_general3A_337 = arith.constant dense<0.000000e+00> : vector<577x577xf32>
    %dot_general3A_338 = tpu.matmul %convert_element_type3A_331, %convert_element_type3A_333, %dot_general3A_337 {dimension_numbers = #tpu.dot_dimension_numbers<[1], [1], [0], [0], [0, 0, 1, 0], [], []>, transpose_lhs_hint = false} : vector<577x64xbf16>, vector<577x64xbf16>, vector<577x577xf32> -> vector<577x577xf32>
    %exp3A_339 = math.exp %dot_general3A_338 : vector<577x577xf32>
    %mul3A_340 = arith.mulf %get3A_40, %exp3A_339 : vector<577x577xf32>
    %convert_element_type3A_341 = arith.truncf %mul3A_340 : vector<577x577xf32> to vector<577x577xbf16>
    %dot_general3A_342 = arith.constant dense<0.000000e+00> : vector<577x65xf32>
    %dot_general3A_343 = tpu.matmul %convert_element_type3A_341, %concatenate3A_336, %dot_general3A_342 {dimension_numbers = #tpu.dot_dimension_numbers<[1], [0], [0], [1], [0, 0, 1, 1], [], []>, transpose_lhs_hint = false} : vector<577x577xbf16>, vector<577x65xbf16>, vector<577x65xf32> -> vector<577x65xf32>
    %slice3A_344 = vector.extract_strided_slice %dot_general3A_343 {offsets = [0, 0], sizes = [577, 64], strides = [1, 1]} : vector<577x65xf32> to vector<577x64xf32>
    %slice3A_345 = vector.extract_strided_slice %dot_general3A_343 {offsets = [0, 64], sizes = [577, 1], strides = [1, 1]} : vector<577x65xf32> to vector<577x1xf32>
    %div3A_346 = vector.broadcast %slice3A_345 : vector<577x1xf32> to vector<577x64xf32>
    %div3A_347 = arith.divf %slice3A_344, %div3A_346 : vector<577x64xf32>
    %swap3A_348 = arith.constant 0 : index
    %swap3A_349 = arith.constant 512 : index
    %swap3A_350 = vector.load %arg13[%swap3A_348, %swap3A_349] : memref<577x768xf32, #tpu.memory_space<vmem>>, vector<577x64xf32>
    tpu.vector_store %arg13[%swap3A_348, %swap3A_349], %div3A_347 {strides = array<i32>} : memref<577x768xf32, #tpu.memory_space<vmem>>, vector<577x64xf32>,
    %slice3A_351 = vector.extract_strided_slice %dot_general3A_338 {offsets = [0, 0], sizes = [1, 577], strides = [1, 1]} : vector<577x577xf32> to vector<1x577xf32>
    %exp3A_352 = math.exp %slice3A_351 : vector<1x577xf32>
    %convert_element_type3A_353 = arith.truncf %exp3A_352 : vector<1x577xf32> to vector<1x577xbf16>
    %dot_general3A_354 = arith.constant dense<0.000000e+00> : vector<1x65xf32>
    %dot_general3A_355 = tpu.matmul %convert_element_type3A_353, %concatenate3A_336, %dot_general3A_354 {dimension_numbers = #tpu.dot_dimension_numbers<[1], [0], [0], [1], [0, 0, 1, 1], [], []>, transpose_lhs_hint = false} : vector<1x577xbf16>, vector<577x65xbf16>, vector<1x65xf32> -> vector<1x65xf32>
    %slice3A_356 = vector.extract_strided_slice %dot_general3A_355 {offsets = [0, 0], sizes = [1, 64], strides = [1, 1]} : vector<1x65xf32> to vector<1x64xf32>
    %slice3A_357 = vector.extract_strided_slice %dot_general3A_355 {offsets = [0, 64], sizes = [1, 1], strides = [1, 1]} : vector<1x65xf32> to vector<1x1xf32>
    %div3A_358 = vector.broadcast %slice3A_357 : vector<1x1xf32> to vector<1x64xf32>
    %div3A_359 = arith.divf %slice3A_356, %div3A_358 : vector<1x64xf32>
    %swap3A_360 = arith.constant 0 : index
    %swap3A_361 = arith.constant 512 : index
    %swap3A_362 = vector.load %arg13[%swap3A_360, %swap3A_361] : memref<577x768xf32, #tpu.memory_space<vmem>>, vector<1x64xf32>
    tpu.vector_store %arg13[%swap3A_360, %swap3A_361], %div3A_359 {strides = array<i32>} : memref<577x768xf32, #tpu.memory_space<vmem>>, vector<1x64xf32>,
    %slice3A_363 = vector.extract_strided_slice %add3A_37 {offsets = [0, 576], sizes = [577, 64], strides = [1, 1]} : vector<577x2304xf32> to vector<577x64xf32>
    %mul3A_364 = arith.constant 1.250000e-01 : f32
    %mul3A_365 = vector.broadcast %mul3A_364 : f32 to vector<577x64xf32>
    %mul3A_366 = arith.mulf %slice3A_363, %mul3A_365 : vector<577x64xf32>
    %convert_element_type3A_367 = arith.truncf %mul3A_366 : vector<577x64xf32> to vector<577x64xbf16>
    %slice3A_368 = vector.extract_strided_slice %add3A_37 {offsets = [0, 1344], sizes = [577, 64], strides = [1, 1]} : vector<577x2304xf32> to vector<577x64xf32>
    %convert_element_type3A_369 = arith.truncf %slice3A_368 : vector<577x64xf32> to vector<577x64xbf16>
    %slice3A_370 = vector.extract_strided_slice %add3A_37 {offsets = [0, 2112], sizes = [577, 64], strides = [1, 1]} : vector<577x2304xf32> to vector<577x64xf32>
    %convert_element_type3A_371 = arith.truncf %slice3A_370 : vector<577x64xf32> to vector<577x64xbf16>
    %concatenate3A_372 = tpu.concatenate %convert_element_type3A_371, %broadcast_in_dim3A_42 in 1 : vector<577x64xbf16>, vector<577x1xbf16> -> vector<577x65xbf16>
    %dot_general3A_373 = arith.constant dense<0.000000e+00> : vector<577x577xf32>
    %dot_general3A_374 = tpu.matmul %convert_element_type3A_367, %convert_element_type3A_369, %dot_general3A_373 {dimension_numbers = #tpu.dot_dimension_numbers<[1], [1], [0], [0], [0, 0, 1, 0], [], []>, transpose_lhs_hint = false} : vector<577x64xbf16>, vector<577x64xbf16>, vector<577x577xf32> -> vector<577x577xf32>
    %exp3A_375 = math.exp %dot_general3A_374 : vector<577x577xf32>
    %mul3A_376 = arith.mulf %get3A_40, %exp3A_375 : vector<577x577xf32>
    %convert_element_type3A_377 = arith.truncf %mul3A_376 : vector<577x577xf32> to vector<577x577xbf16>
    %dot_general3A_378 = arith.constant dense<0.000000e+00> : vector<577x65xf32>
    %dot_general3A_379 = tpu.matmul %convert_element_type3A_377, %concatenate3A_372, %dot_general3A_378 {dimension_numbers = #tpu.dot_dimension_numbers<[1], [0], [0], [1], [0, 0, 1, 1], [], []>, transpose_lhs_hint = false} : vector<577x577xbf16>, vector<577x65xbf16>, vector<577x65xf32> -> vector<577x65xf32>
    %slice3A_380 = vector.extract_strided_slice %dot_general3A_379 {offsets = [0, 0], sizes = [577, 64], strides = [1, 1]} : vector<577x65xf32> to vector<577x64xf32>
    %slice3A_381 = vector.extract_strided_slice %dot_general3A_379 {offsets = [0, 64], sizes = [577, 1], strides = [1, 1]} : vector<577x65xf32> to vector<577x1xf32>
    %div3A_382 = vector.broadcast %slice3A_381 : vector<577x1xf32> to vector<577x64xf32>
    %div3A_383 = arith.divf %slice3A_380, %div3A_382 : vector<577x64xf32>
    %swap3A_384 = arith.constant 0 : index
    %swap3A_385 = arith.constant 576 : index
    %swap3A_386 = vector.load %arg13[%swap3A_384, %swap3A_385] : memref<577x768xf32, #tpu.memory_space<vmem>>, vector<577x64xf32>
    tpu.vector_store %arg13[%swap3A_384, %swap3A_385], %div3A_383 {strides = array<i32>} : memref<577x768xf32, #tpu.memory_space<vmem>>, vector<577x64xf32>,
    %slice3A_387 = vector.extract_strided_slice %dot_general3A_374 {offsets = [0, 0], sizes = [1, 577], strides = [1, 1]} : vector<577x577xf32> to vector<1x577xf32>
    %exp3A_388 = math.exp %slice3A_387 : vector<1x577xf32>
    %convert_element_type3A_389 = arith.truncf %exp3A_388 : vector<1x577xf32> to vector<1x577xbf16>
    %dot_general3A_390 = arith.constant dense<0.000000e+00> : vector<1x65xf32>
    %dot_general3A_391 = tpu.matmul %convert_element_type3A_389, %concatenate3A_372, %dot_general3A_390 {dimension_numbers = #tpu.dot_dimension_numbers<[1], [0], [0], [1], [0, 0, 1, 1], [], []>, transpose_lhs_hint = false} : vector<1x577xbf16>, vector<577x65xbf16>, vector<1x65xf32> -> vector<1x65xf32>
    %slice3A_392 = vector.extract_strided_slice %dot_general3A_391 {offsets = [0, 0], sizes = [1, 64], strides = [1, 1]} : vector<1x65xf32> to vector<1x64xf32>
    %slice3A_393 = vector.extract_strided_slice %dot_general3A_391 {offsets = [0, 64], sizes = [1, 1], strides = [1, 1]} : vector<1x65xf32> to vector<1x1xf32>
    %div3A_394 = vector.broadcast %slice3A_393 : vector<1x1xf32> to vector<1x64xf32>
    %div3A_395 = arith.divf %slice3A_392, %div3A_394 : vector<1x64xf32>
    %swap3A_396 = arith.constant 0 : index
    %swap3A_397 = arith.constant 576 : index
    %swap3A_398 = vector.load %arg13[%swap3A_396, %swap3A_397] : memref<577x768xf32, #tpu.memory_space<vmem>>, vector<1x64xf32>
    tpu.vector_store %arg13[%swap3A_396, %swap3A_397], %div3A_395 {strides = array<i32>} : memref<577x768xf32, #tpu.memory_space<vmem>>, vector<1x64xf32>,
    %slice3A_399 = vector.extract_strided_slice %add3A_37 {offsets = [0, 640], sizes = [577, 64], strides = [1, 1]} : vector<577x2304xf32> to vector<577x64xf32>
    %mul3A_400 = arith.constant 1.250000e-01 : f32
    %mul3A_401 = vector.broadcast %mul3A_400 : f32 to vector<577x64xf32>
    %mul3A_402 = arith.mulf %slice3A_399, %mul3A_401 : vector<577x64xf32>
    %convert_element_type3A_403 = arith.truncf %mul3A_402 : vector<577x64xf32> to vector<577x64xbf16>
    %slice3A_404 = vector.extract_strided_slice %add3A_37 {offsets = [0, 1408], sizes = [577, 64], strides = [1, 1]} : vector<577x2304xf32> to vector<577x64xf32>
    %convert_element_type3A_405 = arith.truncf %slice3A_404 : vector<577x64xf32> to vector<577x64xbf16>
    %slice3A_406 = vector.extract_strided_slice %add3A_37 {offsets = [0, 2176], sizes = [577, 64], strides = [1, 1]} : vector<577x2304xf32> to vector<577x64xf32>
    %convert_element_type3A_407 = arith.truncf %slice3A_406 : vector<577x64xf32> to vector<577x64xbf16>
    %concatenate3A_408 = tpu.concatenate %convert_element_type3A_407, %broadcast_in_dim3A_42 in 1 : vector<577x64xbf16>, vector<577x1xbf16> -> vector<577x65xbf16>
    %dot_general3A_409 = arith.constant dense<0.000000e+00> : vector<577x577xf32>
    %dot_general3A_410 = tpu.matmul %convert_element_type3A_403, %convert_element_type3A_405, %dot_general3A_409 {dimension_numbers = #tpu.dot_dimension_numbers<[1], [1], [0], [0], [0, 0, 1, 0], [], []>, transpose_lhs_hint = false} : vector<577x64xbf16>, vector<577x64xbf16>, vector<577x577xf32> -> vector<577x577xf32>
    %exp3A_411 = math.exp %dot_general3A_410 : vector<577x577xf32>
    %mul3A_412 = arith.mulf %get3A_40, %exp3A_411 : vector<577x577xf32>
    %convert_element_type3A_413 = arith.truncf %mul3A_412 : vector<577x577xf32> to vector<577x577xbf16>
    %dot_general3A_414 = arith.constant dense<0.000000e+00> : vector<577x65xf32>
    %dot_general3A_415 = tpu.matmul %convert_element_type3A_413, %concatenate3A_408, %dot_general3A_414 {dimension_numbers = #tpu.dot_dimension_numbers<[1], [0], [0], [1], [0, 0, 1, 1], [], []>, transpose_lhs_hint = false} : vector<577x577xbf16>, vector<577x65xbf16>, vector<577x65xf32> -> vector<577x65xf32>
    %slice3A_416 = vector.extract_strided_slice %dot_general3A_415 {offsets = [0, 0], sizes = [577, 64], strides = [1, 1]} : vector<577x65xf32> to vector<577x64xf32>
    %slice3A_417 = vector.extract_strided_slice %dot_general3A_415 {offsets = [0, 64], sizes = [577, 1], strides = [1, 1]} : vector<577x65xf32> to vector<577x1xf32>
    %div3A_418 = vector.broadcast %slice3A_417 : vector<577x1xf32> to vector<577x64xf32>
    %div3A_419 = arith.divf %slice3A_416, %div3A_418 : vector<577x64xf32>
    %swap3A_420 = arith.constant 0 : index
    %swap3A_421 = arith.constant 640 : index
    %swap3A_422 = vector.load %arg13[%swap3A_420, %swap3A_421] : memref<577x768xf32, #tpu.memory_space<vmem>>, vector<577x64xf32>
    tpu.vector_store %arg13[%swap3A_420, %swap3A_421], %div3A_419 {strides = array<i32>} : memref<577x768xf32, #tpu.memory_space<vmem>>, vector<577x64xf32>,
    %slice3A_423 = vector.extract_strided_slice %dot_general3A_410 {offsets = [0, 0], sizes = [1, 577], strides = [1, 1]} : vector<577x577xf32> to vector<1x577xf32>
    %exp3A_424 = math.exp %slice3A_423 : vector<1x577xf32>
    %convert_element_type3A_425 = arith.truncf %exp3A_424 : vector<1x577xf32> to vector<1x577xbf16>
    %dot_general3A_426 = arith.constant dense<0.000000e+00> : vector<1x65xf32>
    %dot_general3A_427 = tpu.matmul %convert_element_type3A_425, %concatenate3A_408, %dot_general3A_426 {dimension_numbers = #tpu.dot_dimension_numbers<[1], [0], [0], [1], [0, 0, 1, 1], [], []>, transpose_lhs_hint = false} : vector<1x577xbf16>, vector<577x65xbf16>, vector<1x65xf32> -> vector<1x65xf32>
    %slice3A_428 = vector.extract_strided_slice %dot_general3A_427 {offsets = [0, 0], sizes = [1, 64], strides = [1, 1]} : vector<1x65xf32> to vector<1x64xf32>
    %slice3A_429 = vector.extract_strided_slice %dot_general3A_427 {offsets = [0, 64], sizes = [1, 1], strides = [1, 1]} : vector<1x65xf32> to vector<1x1xf32>
    %div3A_430 = vector.broadcast %slice3A_429 : vector<1x1xf32> to vector<1x64xf32>
    %div3A_431 = arith.divf %slice3A_428, %div3A_430 : vector<1x64xf32>
    %swap3A_432 = arith.constant 0 : index
    %swap3A_433 = arith.constant 640 : index
    %swap3A_434 = vector.load %arg13[%swap3A_432, %swap3A_433] : memref<577x768xf32, #tpu.memory_space<vmem>>, vector<1x64xf32>
    tpu.vector_store %arg13[%swap3A_432, %swap3A_433], %div3A_431 {strides = array<i32>} : memref<577x768xf32, #tpu.memory_space<vmem>>, vector<1x64xf32>,
    %slice3A_435 = vector.extract_strided_slice %add3A_37 {offsets = [0, 704], sizes = [577, 64], strides = [1, 1]} : vector<577x2304xf32> to vector<577x64xf32>
    %mul3A_436 = arith.constant 1.250000e-01 : f32
    %mul3A_437 = vector.broadcast %mul3A_436 : f32 to vector<577x64xf32>
    %mul3A_438 = arith.mulf %slice3A_435, %mul3A_437 : vector<577x64xf32>
    %convert_element_type3A_439 = arith.truncf %mul3A_438 : vector<577x64xf32> to vector<577x64xbf16>
    %slice3A_440 = vector.extract_strided_slice %add3A_37 {offsets = [0, 1472], sizes = [577, 64], strides = [1, 1]} : vector<577x2304xf32> to vector<577x64xf32>
    %convert_element_type3A_441 = arith.truncf %slice3A_440 : vector<577x64xf32> to vector<577x64xbf16>
    %slice3A_442 = vector.extract_strided_slice %add3A_37 {offsets = [0, 2240], sizes = [577, 64], strides = [1, 1]} : vector<577x2304xf32> to vector<577x64xf32>
    %convert_element_type3A_443 = arith.truncf %slice3A_442 : vector<577x64xf32> to vector<577x64xbf16>
    %concatenate3A_444 = tpu.concatenate %convert_element_type3A_443, %broadcast_in_dim3A_42 in 1 : vector<577x64xbf16>, vector<577x1xbf16> -> vector<577x65xbf16>
    %dot_general3A_445 = arith.constant dense<0.000000e+00> : vector<577x577xf32>
    %dot_general3A_446 = tpu.matmul %convert_element_type3A_439, %convert_element_type3A_441, %dot_general3A_445 {dimension_numbers = #tpu.dot_dimension_numbers<[1], [1], [0], [0], [0, 0, 1, 0], [], []>, transpose_lhs_hint = false} : vector<577x64xbf16>, vector<577x64xbf16>, vector<577x577xf32> -> vector<577x577xf32>
    %exp3A_447 = math.exp %dot_general3A_446 : vector<577x577xf32>
    %mul3A_448 = arith.mulf %get3A_40, %exp3A_447 : vector<577x577xf32>
    %convert_element_type3A_449 = arith.truncf %mul3A_448 : vector<577x577xf32> to vector<577x577xbf16>
    %dot_general3A_450 = arith.constant dense<0.000000e+00> : vector<577x65xf32>
    %dot_general3A_451 = tpu.matmul %convert_element_type3A_449, %concatenate3A_444, %dot_general3A_450 {dimension_numbers = #tpu.dot_dimension_numbers<[1], [0], [0], [1], [0, 0, 1, 1], [], []>, transpose_lhs_hint = false} : vector<577x577xbf16>, vector<577x65xbf16>, vector<577x65xf32> -> vector<577x65xf32>
    %slice3A_452 = vector.extract_strided_slice %dot_general3A_451 {offsets = [0, 0], sizes = [577, 64], strides = [1, 1]} : vector<577x65xf32> to vector<577x64xf32>
    %slice3A_453 = vector.extract_strided_slice %dot_general3A_451 {offsets = [0, 64], sizes = [577, 1], strides = [1, 1]} : vector<577x65xf32> to vector<577x1xf32>
    %div3A_454 = vector.broadcast %slice3A_453 : vector<577x1xf32> to vector<577x64xf32>
    %div3A_455 = arith.divf %slice3A_452, %div3A_454 : vector<577x64xf32>
    %swap3A_456 = arith.constant 0 : index
    %swap3A_457 = arith.constant 704 : index
    %swap3A_458 = vector.load %arg13[%swap3A_456, %swap3A_457] : memref<577x768xf32, #tpu.memory_space<vmem>>, vector<577x64xf32>
    tpu.vector_store %arg13[%swap3A_456, %swap3A_457], %div3A_455 {strides = array<i32>} : memref<577x768xf32, #tpu.memory_space<vmem>>, vector<577x64xf32>,
    %slice3A_459 = vector.extract_strided_slice %dot_general3A_446 {offsets = [0, 0], sizes = [1, 577], strides = [1, 1]} : vector<577x577xf32> to vector<1x577xf32>
    %exp3A_460 = math.exp %slice3A_459 : vector<1x577xf32>
    %convert_element_type3A_461 = arith.truncf %exp3A_460 : vector<1x577xf32> to vector<1x577xbf16>
    %dot_general3A_462 = arith.constant dense<0.000000e+00> : vector<1x65xf32>
    %dot_general3A_463 = tpu.matmul %convert_element_type3A_461, %concatenate3A_444, %dot_general3A_462 {dimension_numbers = #tpu.dot_dimension_numbers<[1], [0], [0], [1], [0, 0, 1, 1], [], []>, transpose_lhs_hint = false} : vector<1x577xbf16>, vector<577x65xbf16>, vector<1x65xf32> -> vector<1x65xf32>
    %slice3A_464 = vector.extract_strided_slice %dot_general3A_463 {offsets = [0, 0], sizes = [1, 64], strides = [1, 1]} : vector<1x65xf32> to vector<1x64xf32>
    %slice3A_465 = vector.extract_strided_slice %dot_general3A_463 {offsets = [0, 64], sizes = [1, 1], strides = [1, 1]} : vector<1x65xf32> to vector<1x1xf32>
    %div3A_466 = vector.broadcast %slice3A_465 : vector<1x1xf32> to vector<1x64xf32>
    %div3A_467 = arith.divf %slice3A_464, %div3A_466 : vector<1x64xf32>
    %swap3A_468 = arith.constant 0 : index
    %swap3A_469 = arith.constant 704 : index
    %swap3A_470 = vector.load %arg13[%swap3A_468, %swap3A_469] : memref<577x768xf32, #tpu.memory_space<vmem>>, vector<1x64xf32>
    tpu.vector_store %arg13[%swap3A_468, %swap3A_469], %div3A_467 {strides = array<i32>} : memref<577x768xf32, #tpu.memory_space<vmem>>, vector<1x64xf32>,
    %get3A_471 = arith.constant 0 : index
    %get3A_472 = arith.constant 0 : index
    %get3A_473 = vector.load %arg13[%get3A_471, %get3A_472] : memref<577x768xf32, #tpu.memory_space<vmem>>, vector<577x768xf32>
    %convert_element_type3A_474 = arith.truncf %get3A_473 : vector<577x768xf32> to vector<577x768xbf16>
    %get3A_475 = arith.constant 0 : index
    %get3A_476 = arith.constant 0 : index
    %get3A_477 = vector.load %arg5[%get3A_475, %get3A_476] : memref<768x768xbf16, #tpu.memory_space<vmem>>, vector<768x768xbf16>
    %dot_general3A_478 = arith.constant dense<0.000000e+00> : vector<577x768xf32>
    %dot_general3A_479 = tpu.matmul %convert_element_type3A_474, %get3A_477, %dot_general3A_478 {dimension_numbers = #tpu.dot_dimension_numbers<[1], [0], [0], [1], [0, 0, 1, 1], [], []>, transpose_lhs_hint = false} : vector<577x768xbf16>, vector<768x768xbf16>, vector<577x768xf32> -> vector<577x768xf32>
    %get3A_480 = arith.constant 0 : index
    %get3A_481 = arith.constant 0 : index
    %get3A_482 = vector.load %arg6[%get3A_480, %get3A_481] : memref<1x768xf32, #tpu.memory_space<vmem>>, vector<1x768xf32>
    %add3A_483 = vector.broadcast %get3A_482 : vector<1x768xf32> to vector<577x768xf32>
    %add3A_484 = arith.addf %dot_general3A_479, %add3A_483 : vector<577x768xf32>
    %add3A_485 = arith.addf %add3A_484, %get3A_3 : vector<577x768xf32>
    %swap3A_486 = arith.constant 0 : index
    %swap3A_487 = arith.constant 0 : index
    %swap3A_488 = arith.constant 0 : index
    %swap3A_489 = vector.load %arg11[%swap3A_486, %swap3A_487, %swap3A_488] : memref<1x577x768xf32, #tpu.memory_space<vmem>>, vector<1x577x768xf32>
    %swap3A_490 = vector.shape_cast %swap3A_489 : vector<1x577x768xf32> to vector<577x768xf32>
    %swap3A_491 = vector.shape_cast %add3A_485 : vector<577x768xf32> to vector<1x577x768xf32>
    tpu.vector_store %arg11[%swap3A_486, %swap3A_487, %swap3A_488], %swap3A_491 {strides = array<i32>} : memref<1x577x768xf32, #tpu.memory_space<vmem>>, vector<1x577x768xf32>,
    %get3A_492 = arith.constant 0 : index
    %get3A_493 = arith.constant 0 : index
    %get3A_494 = vector.load %arg9[%get3A_492, %get3A_493] : memref<1x768xf32, #tpu.memory_space<vmem>>, vector<1x768xf32>
    %get3A_495 = arith.constant 0 : index
    %get3A_496 = arith.constant 0 : index
    %get3A_497 = vector.load %arg10[%get3A_495, %get3A_496] : memref<1x768xf32, #tpu.memory_space<vmem>>, vector<1x768xf32>
    %reduce_sum3A_498 = arith.constant dense<0.000000e+00> : vector<577xf32>
    %reduce_sum3A_499 = vector.multi_reduction <add>, %add3A_485, %reduce_sum3A_498 [1] : vector<577x768xf32> to vector<577xf32>
    %broadcast_in_dim3A_500 = vector.shape_cast %reduce_sum3A_499 : vector<577xf32> to vector<577x1xf32>
    %div3A_501 = arith.constant 7.680000e+02 : f32
    %div3A_502 = vector.broadcast %div3A_501 : f32 to vector<577x1xf32>
    %div3A_503 = arith.divf %broadcast_in_dim3A_500, %div3A_502 : vector<577x1xf32>
    %sub3A_504 = vector.broadcast %div3A_503 : vector<577x1xf32> to vector<577x768xf32>
    %sub3A_505 = arith.subf %add3A_485, %sub3A_504 : vector<577x768xf32>
    %integer_pow3A_506 = arith.mulf %sub3A_505, %sub3A_505 : vector<577x768xf32>
    %reduce_sum3A_507 = arith.constant dense<0.000000e+00> : vector<577xf32>
    %reduce_sum3A_508 = vector.multi_reduction <add>, %integer_pow3A_506, %reduce_sum3A_507 [1] : vector<577x768xf32> to vector<577xf32>
    %broadcast_in_dim3A_509 = vector.shape_cast %reduce_sum3A_508 : vector<577xf32> to vector<577x1xf32>
    %div3A_510 = arith.constant 7.680000e+02 : f32
    %div3A_511 = vector.broadcast %div3A_510 : f32 to vector<577x1xf32>
    %div3A_512 = arith.divf %broadcast_in_dim3A_509, %div3A_511 : vector<577x1xf32>
    %sub3A_513 = vector.broadcast %div3A_503 : vector<577x1xf32> to vector<577x768xf32>
    %sub3A_514 = arith.subf %add3A_485, %sub3A_513 : vector<577x768xf32>
    %add3A_515 = arith.constant 9.99999974E-6 : f32
    %add3A_516 = vector.broadcast %add3A_515 : f32 to vector<577x1xf32>
    %add3A_517 = arith.addf %div3A_512, %add3A_516 : vector<577x1xf32>
    %rsqrt3A_518 = math.rsqrt %add3A_517 : vector<577x1xf32>
    %mul3A_519 = vector.broadcast %rsqrt3A_518 : vector<577x1xf32> to vector<577x768xf32>
    %mul3A_520 = arith.mulf %sub3A_514, %mul3A_519 : vector<577x768xf32>
    %mul3A_521 = vector.broadcast %get3A_494 : vector<1x768xf32> to vector<577x768xf32>
    %mul3A_522 = arith.mulf %mul3A_520, %mul3A_521 : vector<577x768xf32>
    %add3A_523 = vector.broadcast %get3A_497 : vector<1x768xf32> to vector<577x768xf32>
    %add3A_524 = arith.addf %mul3A_522, %add3A_523 : vector<577x768xf32>
    %swap3A_525 = arith.constant 0 : index
    %swap3A_526 = arith.constant 0 : index
    %swap3A_527 = arith.constant 0 : index
    %swap3A_528 = vector.load %arg12[%swap3A_525, %swap3A_526, %swap3A_527] : memref<1x577x768xf32, #tpu.memory_space<vmem>>, vector<1x577x768xf32>
    %swap3A_529 = vector.shape_cast %swap3A_528 : vector<1x577x768xf32> to vector<577x768xf32>
    %swap3A_530 = vector.shape_cast %add3A_524 : vector<577x768xf32> to vector<1x577x768xf32>
    tpu.vector_store %arg12[%swap3A_525, %swap3A_526, %swap3A_527], %swap3A_530 {strides = array<i32>} : memref<1x577x768xf32, #tpu.memory_space<vmem>>, vector<1x577x768xf32>,
    return
  }
  func.func @transform_0(%arg0: i32) -> (i32, i32, i32) {
    %c0_i32 = arith.constant 0 : i32
    %c0_i32_0 = arith.constant 0 : i32
    %c0_i32_1 = arith.constant 0 : i32
    return %arg0, %c0_i32, %c0_i32_0 : i32, i32, i32
  }
  func.func @transform_1(%arg0: i32) -> (i32, i32) {
    %c0_i32 = arith.constant 0 : i32
    %c0_i32_0 = arith.constant 0 : i32
    %c0_i32_1 = arith.constant 0 : i32
    return %c0_i32, %c0_i32_0 : i32, i32
  }
  func.func @transform_2(%arg0: i32) -> (i32, i32) {
    %c0_i32 = arith.constant 0 : i32
    %c0_i32_0 = arith.constant 0 : i32
    %c0_i32_1 = arith.constant 0 : i32
    return %c0_i32, %c0_i32_0 : i32, i32
  }
  func.func @transform_3(%arg0: i32) -> (i32, i32) {
    %c0_i32 = arith.constant 0 : i32
    %c0_i32_0 = arith.constant 0 : i32
    %c0_i32_1 = arith.constant 0 : i32
    return %c0_i32, %c0_i32_0 : i32, i32
  }
  func.func @transform_4(%arg0: i32) -> (i32, i32) {
    %c0_i32 = arith.constant 0 : i32
    %c0_i32_0 = arith.constant 0 : i32
    %c0_i32_1 = arith.constant 0 : i32
    return %c0_i32, %c0_i32_0 : i32, i32
  }
  func.func @transform_5(%arg0: i32) -> (i32, i32) {
    %c0_i32 = arith.constant 0 : i32
    %c0_i32_0 = arith.constant 0 : i32
    %c0_i32_1 = arith.constant 0 : i32
    return %c0_i32, %c0_i32_0 : i32, i32
  }
  func.func @transform_6(%arg0: i32) -> (i32, i32) {
    %c0_i32 = arith.constant 0 : i32
    %c0_i32_0 = arith.constant 0 : i32
    %c0_i32_1 = arith.constant 0 : i32
    return %c0_i32, %c0_i32_0 : i32, i32
  }
  func.func @transform_7(%arg0: i32) -> (i32, i32) {
    %c0_i32 = arith.constant 0 : i32
    %c0_i32_0 = arith.constant 0 : i32
    %c0_i32_1 = arith.constant 0 : i32
    return %c0_i32, %c0_i32_0 : i32, i32
  }
  func.func @transform_8(%arg0: i32) -> (i32, i32) {
    %c0_i32 = arith.constant 0 : i32
    %c0_i32_0 = arith.constant 0 : i32
    %c0_i32_1 = arith.constant 0 : i32
    return %c0_i32, %c0_i32_0 : i32, i32
  }
  func.func @transform_9(%arg0: i32) -> (i32, i32) {
    %c0_i32 = arith.constant 0 : i32
    %c0_i32_0 = arith.constant 0 : i32
    %c0_i32_1 = arith.constant 0 : i32
    return %c0_i32, %c0_i32_0 : i32, i32
  }
  func.func @transform_10(%arg0: i32) -> (i32, i32, i32) {
    %c0_i32 = arith.constant 0 : i32
    %c0_i32_0 = arith.constant 0 : i32
    %c0_i32_1 = arith.constant 0 : i32
    return %arg0, %c0_i32, %c0_i32_0 : i32, i32, i32
  }
  func.func @transform_11(%arg0: i32) -> (i32, i32, i32) {
    %c0_i32 = arith.constant 0 : i32
    %c0_i32_0 = arith.constant 0 : i32
    %c0_i32_1 = arith.constant 0 : i32
    return %arg0, %c0_i32, %c0_i32_0 : i32, i32, i32
  }
}

module attributes {stable_mosaic.version = 14 : i64} {
  func.func @_mlp_kernel(%arg0: i32, %arg1: memref<1x577x768xf32, #tpu.memory_space<vmem>>, %arg2: memref<768x3072xbf16, #tpu.memory_space<vmem>>, %arg3: memref<1x3072xf32, #tpu.memory_space<vmem>>, %arg4: memref<3072x768xbf16, #tpu.memory_space<vmem>>, %arg5: memref<1x768xf32, #tpu.memory_space<vmem>>, %arg6: memref<1x577x768xf32, #tpu.memory_space<vmem>>, %arg7: memref<1x577x768xf32, #tpu.memory_space<vmem>>) attributes {dimension_semantics = [#tpu.dimension_semantics<parallel>], iteration_bounds = array<i64: 4>, scalar_prefetch = 0 : i64, scratch_operands = 0 : i64, tpu.core_type = #tpu.core_type<tc>, window_params = [{transform_indices = @transform_0, window_bounds = array<i64: 1, 577, 768>}, {pipeline_mode = #tpu.pipeline_mode<synchronous>, transform_indices = @transform_1, window_bounds = array<i64: 768, 3072>}, {pipeline_mode = #tpu.pipeline_mode<synchronous>, transform_indices = @transform_2, window_bounds = array<i64: 1, 3072>}, {pipeline_mode = #tpu.pipeline_mode<synchronous>, transform_indices = @transform_3, window_bounds = array<i64: 3072, 768>}, {pipeline_mode = #tpu.pipeline_mode<synchronous>, transform_indices = @transform_4, window_bounds = array<i64: 1, 768>}, {transform_indices = @transform_5, window_bounds = array<i64: 1, 577, 768>}, {transform_indices = @transform_6, window_bounds = array<i64: 1, 577, 768>}]} {
    %get3A = arith.constant 0 : index
    %get3A_0 = arith.constant 0 : index
    %get3A_1 = arith.constant 0 : index
    %get3A_2 = vector.load %arg1[%get3A, %get3A_0, %get3A_1] : memref<1x577x768xf32, #tpu.memory_space<vmem>>, vector<1x577x768xf32>
    %get3A_3 = vector.shape_cast %get3A_2 : vector<1x577x768xf32> to vector<577x768xf32>
    %convert_element_type3A = arith.truncf %get3A_3 : vector<577x768xf32> to vector<577x768xbf16>
    %get3A_4 = arith.constant 0 : index
    %get3A_5 = arith.constant 0 : index
    %get3A_6 = vector.load %arg2[%get3A_4, %get3A_5] : memref<768x3072xbf16, #tpu.memory_space<vmem>>, vector<768x3072xbf16>
    %dot_general3A = arith.constant dense<0.000000e+00> : vector<577x3072xf32>
    %dot_general3A_7 = tpu.matmul %convert_element_type3A, %get3A_6, %dot_general3A {dimension_numbers = #tpu.dot_dimension_numbers<[1], [0], [0], [1], [0, 0, 1, 1], [], []>, transpose_lhs_hint = false} : vector<577x768xbf16>, vector<768x3072xbf16>, vector<577x3072xf32> -> vector<577x3072xf32>
    %get3A_8 = arith.constant 0 : index
    %get3A_9 = arith.constant 0 : index
    %get3A_10 = vector.load %arg3[%get3A_8, %get3A_9] : memref<1x3072xf32, #tpu.memory_space<vmem>>, vector<1x3072xf32>
    %add3A = vector.broadcast %get3A_10 : vector<1x3072xf32> to vector<577x3072xf32>
    %add3A_11 = arith.addf %dot_general3A_7, %add3A : vector<577x3072xf32>
    %mul3A = arith.constant 5.000000e-01 : f32
    %mul3A_12 = vector.broadcast %mul3A : f32 to vector<577x3072xf32>
    %mul3A_13 = arith.mulf %mul3A_12, %add3A_11 : vector<577x3072xf32>
    %mul3A_14 = arith.constant 0.707106769 : f32
    %mul3A_15 = vector.broadcast %mul3A_14 : f32 to vector<577x3072xf32>
    %mul3A_16 = arith.mulf %add3A_11, %mul3A_15 : vector<577x3072xf32>
    %erf3A = math.erf %mul3A_16 : vector<577x3072xf32>
    %add3A_17 = arith.constant 1.000000e+00 : f32
    %add3A_18 = vector.broadcast %add3A_17 : f32 to vector<577x3072xf32>
    %add3A_19 = arith.addf %add3A_18, %erf3A : vector<577x3072xf32>
    %mul3A_20 = arith.mulf %mul3A_13, %add3A_19 : vector<577x3072xf32>
    %convert_element_type3A_21 = arith.truncf %mul3A_20 : vector<577x3072xf32> to vector<577x3072xbf16>
    %get3A_22 = arith.constant 0 : index
    %get3A_23 = arith.constant 0 : index
    %get3A_24 = vector.load %arg4[%get3A_22, %get3A_23] : memref<3072x768xbf16, #tpu.memory_space<vmem>>, vector<3072x768xbf16>
    %dot_general3A_25 = arith.constant dense<0.000000e+00> : vector<577x768xf32>
    %dot_general3A_26 = tpu.matmul %convert_element_type3A_21, %get3A_24, %dot_general3A_25 {dimension_numbers = #tpu.dot_dimension_numbers<[1], [0], [0], [1], [0, 0, 1, 1], [], []>, transpose_lhs_hint = false} : vector<577x3072xbf16>, vector<3072x768xbf16>, vector<577x768xf32> -> vector<577x768xf32>
    %get3A_27 = arith.constant 0 : index
    %get3A_28 = arith.constant 0 : index
    %get3A_29 = vector.load %arg5[%get3A_27, %get3A_28] : memref<1x768xf32, #tpu.memory_space<vmem>>, vector<1x768xf32>
    %add3A_30 = vector.broadcast %get3A_29 : vector<1x768xf32> to vector<577x768xf32>
    %add3A_31 = arith.addf %dot_general3A_26, %add3A_30 : vector<577x768xf32>
    %get3A_32 = arith.constant 0 : index
    %get3A_33 = arith.constant 0 : index
    %get3A_34 = arith.constant 0 : index
    %get3A_35 = vector.load %arg6[%get3A_32, %get3A_33, %get3A_34] : memref<1x577x768xf32, #tpu.memory_space<vmem>>, vector<1x577x768xf32>
    %get3A_36 = vector.shape_cast %get3A_35 : vector<1x577x768xf32> to vector<577x768xf32>
    %add3A_37 = arith.addf %add3A_31, %get3A_36 : vector<577x768xf32>
    %swap3A = arith.constant 0 : index
    %swap3A_38 = arith.constant 0 : index
    %swap3A_39 = arith.constant 0 : index
    %swap3A_40 = vector.load %arg7[%swap3A, %swap3A_38, %swap3A_39] : memref<1x577x768xf32, #tpu.memory_space<vmem>>, vector<1x577x768xf32>
    %swap3A_41 = vector.shape_cast %swap3A_40 : vector<1x577x768xf32> to vector<577x768xf32>
    %swap3A_42 = vector.shape_cast %add3A_37 : vector<577x768xf32> to vector<1x577x768xf32>
    tpu.vector_store %arg7[%swap3A, %swap3A_38, %swap3A_39], %swap3A_42 {strides = array<i32>} : memref<1x577x768xf32, #tpu.memory_space<vmem>>, vector<1x577x768xf32>,
    return
  }
  func.func @transform_0(%arg0: i32) -> (i32, i32, i32) {
    %c0_i32 = arith.constant 0 : i32
    %c0_i32_0 = arith.constant 0 : i32
    %c0_i32_1 = arith.constant 0 : i32
    return %arg0, %c0_i32, %c0_i32_0 : i32, i32, i32
  }
  func.func @transform_1(%arg0: i32) -> (i32, i32) {
    %c0_i32 = arith.constant 0 : i32
    %c0_i32_0 = arith.constant 0 : i32
    %c0_i32_1 = arith.constant 0 : i32
    return %c0_i32, %c0_i32_0 : i32, i32
  }
  func.func @transform_2(%arg0: i32) -> (i32, i32) {
    %c0_i32 = arith.constant 0 : i32
    %c0_i32_0 = arith.constant 0 : i32
    %c0_i32_1 = arith.constant 0 : i32
    return %c0_i32, %c0_i32_0 : i32, i32
  }
  func.func @transform_3(%arg0: i32) -> (i32, i32) {
    %c0_i32 = arith.constant 0 : i32
    %c0_i32_0 = arith.constant 0 : i32
    %c0_i32_1 = arith.constant 0 : i32
    return %c0_i32, %c0_i32_0 : i32, i32
  }
  func.func @transform_4(%arg0: i32) -> (i32, i32) {
    %c0_i32 = arith.constant 0 : i32
    %c0_i32_0 = arith.constant 0 : i32
    %c0_i32_1 = arith.constant 0 : i32
    return %c0_i32, %c0_i32_0 : i32, i32
  }
  func.func @transform_5(%arg0: i32) -> (i32, i32, i32) {
    %c0_i32 = arith.constant 0 : i32
    %c0_i32_0 = arith.constant 0 : i32
    %c0_i32_1 = arith.constant 0 : i32
    return %arg0, %c0_i32, %c0_i32_0 : i32, i32, i32
  }
  func.func @transform_6(%arg0: i32) -> (i32, i32, i32) {
    %c0_i32 = arith.constant 0 : i32
    %c0_i32_0 = arith.constant 0 : i32
    %c0_i32_1 = arith.constant 0 : i32
    return %arg0, %c0_i32, %c0_i32_0 : i32, i32, i32
  }
}

</mosaic_0001>

<sc_bundles>
// kernel: kernel.5.cloned.1.call-start
scs
__scs_entry_jumppad:
0x0: {  	(pc) =	sbr.rel $0x88, $3  }
0x1: {  	(tag) =	ssettag $0x0;
	lr =	simm.s32 $0x1  }
0x2: {  	[smem:$0x3F93] =	sst lr;
	_ =	strace $0xD0000000  }
0x3: {  	_ = 	snop  }
0x4: {  	_ = 	snop  }
0x5: {  	_ = 	snop  }
0x6: {  	_ = 	snop  }
0x7: {  	_ = 	snop  }
__scs_overlays_trampoline_lowered:
0x8: {  	[smem:$0x3FA2] =	sst s0  }
0x9: {  	[smem:$0x3FA3] =	sst s1  }
0xa: {  	[smem:$0x3FA4] =	sst s2  }
0xb: {  	[smem:$0x3FA5] =	sst s3  }
0xc: {  	[smem:$0x3FA6] =	sst s4  }
0xd: {  	[smem:$0x3FA7] =	sst s5  }
0xe: {  	[smem:$0x3FA8] =	sst s6  }
0xf: {  	[smem:$0x3FA9] =	sst s7  }
0x10: {  	[smem:$0x3FAA] =	sst s8  }
0x11: {  	[smem:$0x3FAB] =	sst s9;
	s0 =	simm.s32 @!p0 $0x0  }
0x12: {  	s1 =	sld [smem:$0x3F91];
	s0 =	simm.s32 @p0 $0x1  }
0x13: {  	[smem:$0x3FAC] =	sst s0;
	s0 =	simm.s32 @!p1 $0x0  }
0x14: {  	s2 =	sld [smem:$0x3F90];
	s0 =	simm.s32 @p1 $0x1  }
0x15: {  	[smem:$0x3FAD] =	sst s0;
	s0 =	simm.s32 @!p2 $0x0  }
0x16: {  	s3 =	sld [smem:$0x3FDB];
	s0 =	simm.s32 @p2 $0x1  }
0x17: {  	s4 =	simm.s32 $0x1BF5;
	[smem:$0x3FAF] =	sst s0  }
0x18: {  	s0 =	sld [smem:$0x3F92];
	_ =	swait.ge [sflag:s4], $0x0  }
0x19: {  	s7 =	sld [smem:$0x3F93]  }
0x1a: {  	s8 =	sadd.s32 $0xFFFFE003, lr  }
0x1b: {  	s9 =	sadd.s32 $0xFFFFFEF7, lr;
	s5 =	simm.s32 $0xFFFFFFFF;
	p2 =	slt.u32 s8, $0xFFFFF086  }
0x1c: {  	p1 =	slt.u32 s9, $0xF7A;
	s5 =	simm.s32 @!p2 $0x0  }
0x1d: {  	s5 =	simm.s32 @p1 $0x1;
	p0 =	seq.s32 s7, s2  }
0x1e: {  	s7 =	smul.u32 @!p0 $0xF7A, s2;
	p2 =	seq.s32 @!p0 s5, $0x0  }
0x1f: {  	s9 =	smul.u32 $0xF7A, s1;
	s8 =	simm.s32 @!p0 $0x1BF5;
	p2 =	por !p2, p0  }
0x20: {  	[sflag:s8] =	ssyncset.s32 @!p0 $0xFFFFF086;
	s6 =	sadd.s32 @!p0 s3, s7;
	s7 =	simm.s32 @!p0 $0x108  }
0x21: {  	s3 =	sadd.s32 s3, s9;
	s6 =	sadd.s32 @!p0 $0x88, s6;
	s7 =	simm.s32 @p2 $0x1082  }
0x22: {  	[simem:s7], [sflag:s8] =	dma.local @!p0 [hbm:s6], $0xF7A  }
0x23: {  	s9 =	sor.u32 $0xD0000000, s2;
	s6 =	simm.s32 $0x108;
	_ =	swait.ge @!p0 [sflag:s8], $0x0  }
0x24: {  	s3 =	sadd.s32 $0x88, s3;
	s6 =	simm.s32 @!p1 $0x1082;
	[sflag:s4] =	ssyncset.s32 $0xFFFFF086  }
0x25: {  	[simem:s6], [sflag:s4] =	dma.local [hbm:s3], $0xF7A  }
0x26: {  	[smem:$0x3F93] =	sst s1;
	(tag) =	ssettag s2;
	_ =	strace s9  }
0x27: {  	s1 =	sld [smem:$0x3FA3]  }
0x28: {  	s2 =	sld [smem:$0x3FA4]  }
0x29: {  	s4 =	sld [smem:$0x3FA6]  }
0x2a: {  	p0 =	seq.s32 s5, $0x0;
	s5 =	sld [smem:$0x3FA7]  }
0x2b: {  	s6 =	sld [smem:$0x3FA8]  }
0x2c: {  	s7 =	sld [smem:$0x3FA9]  }
0x2d: {  	s3 =	simm.s32 $0x108;
	s8 =	sld [smem:$0x3FAA]  }
0x2e: {  	s3 =	simm.s32 @!p0 $0x1082;
	s9 =	sld [smem:$0x3FAB]  }
0x2f: {  	lr =	sadd.s32 s0, s3;
	s0 =	sld [smem:$0x3FA2]  }
0x30: {  	s3 =	sld [smem:$0x3FA5]  }
0x31: {  	[smem:$0x3FAE] =	sst s10  }
0x32: {  	s10 =	sld [smem:$0x3FAC];
	_ =	sdelay $0x3  }
0x33: {  	p0 =	seq.s32 s10, $0x1;
	s10 =	sld [smem:$0x3FAE];
	_ =	sdelay $0x3  }
0x34: {  	[smem:$0x3FAE] =	sst s10  }
0x35: {  	s10 =	sld [smem:$0x3FAD];
	_ =	sdelay $0x3  }
0x36: {  	p1 =	seq.s32 s10, $0x1;
	s10 =	sld [smem:$0x3FAE];
	_ =	sdelay $0x3  }
0x37: {  	[smem:$0x3FAE] =	sst s10  }
0x38: {  	s10 =	sld [smem:$0x3FAF]  }
0x39: {  	_ = 	snop;
	(pc) =	sbr.ind lr, $3  }
0x3a: {  	_ = 	snop  }
0x3b: {  	_ = 	snop  }
0x3c: {  	p2 =	seq.s32 s10, $0x1;
	s10 =	sld [smem:$0x3FAE]  }
0x3d: {  	_ =	shalt  }
0x3e: {  	_ =	shalt  }
0x3f: {  	_ =	shalt  }
0x40: {  	_ =	shalt  }
0x41: {  	_ =	shalt  }
0x42: {  	_ =	shalt  }
0x43: {  	_ =	shalt  }
0x44: {  	_ =	shalt  }
0x45: {  	_ =	shalt  }
0x46: {  	_ =	shalt  }
0x47: {  	_ =	shalt  }
0x48: {  	_ =	shalt  }
0x49: {  	_ =	shalt  }
0x4a: {  	_ =	shalt  }
0x4b: {  	_ =	shalt  }
0x4c: {  	_ =	shalt  }
0x4d: {  	_ =	shalt  }
0x4e: {  	_ =	shalt  }
0x4f: {  	_ =	shalt  }
0x50: {  	_ =	shalt  }
0x51: {  	_ =	shalt  }
0x52: {  	_ =	shalt  }
0x53: {  	_ =	shalt  }
0x54: {  	_ =	shalt  }
0x55: {  	_ =	shalt  }
0x56: {  	_ =	shalt  }
0x57: {  	_ =	shalt  }
0x58: {  	_ =	shalt  }
0x59: {  	_ =	shalt  }
0x5a: {  	_ =	shalt  }
0x5b: {  	_ =	shalt  }
0x5c: {  	_ =	shalt  }
0x5d: {  	_ =	shalt  }
0x5e: {  	_ =	shalt  }
0x5f: {  	_ =	shalt  }
0x60: {  	_ =	shalt  }
0x61: {  	_ =	shalt  }
0x62: {  	_ =	shalt  }
0x63: {  	_ =	shalt  }
0x64: {  	_ =	shalt  }
0x65: {  	_ =	shalt  }
0x66: {  	_ =	shalt  }
0x67: {  	_ =	shalt  }
0x68: {  	_ =	shalt  }
0x69: {  	_ =	shalt  }
0x6a: {  	_ =	shalt  }
0x6b: {  	_ =	shalt  }
0x6c: {  	_ =	shalt  }
0x6d: {  	_ =	shalt  }
0x6e: {  	_ =	shalt  }
0x6f: {  	_ =	shalt  }
0x70: {  	_ =	shalt  }
0x71: {  	_ =	shalt  }
0x72: {  	_ =	shalt  }
0x73: {  	_ =	shalt  }
0x74: {  	_ =	shalt  }
0x75: {  	_ =	shalt  }
0x76: {  	_ =	shalt  }
0x77: {  	_ =	shalt  }
0x78: {  	_ =	shalt  }
0x79: {  	_ =	shalt  }
0x7a: {  	_ =	shalt  }
0x7b: {  	_ =	shalt  }
0x7c: {  	_ =	shalt  }
0x7d: {  	_ =	shalt  }
0x7e: {  	_ =	shalt  }
0x7f: {  	_ =	shalt  }
0x80: {  	_ =	shalt  }
0x81: {  	_ =	shalt  }
0x82: {  	_ =	shalt  }
0x83: {  	_ =	shalt  }
0x84: {  	_ =	shalt  }
0x85: {  	_ =	shalt  }
0x86: {  	_ =	shalt  }
0x87: {  	_ =	shalt  }
.Lfunc_end0:
.L_simem_size_0:
called_computation_lowered:
.L_overlay_start_0:
0x88: {  	s2 =	sld [smem:$0x3FD9]  }
0x89: {  	s3 =	sld [smem:$0x3FFE];
	_ =	sdelay $0x1  }
0x8a: {  	s1 =	srdreg.scid  }
0x8b: {  	s0 =	sand.u32 $0x1, s1  }
0x8c: {  	s17 =	sshll.u32 s0, $0xA;
	s2 =	sadd.s32 s3, s2  }
0x8d: {  	s2 =	sadd.s32 s2, s17  }
0x8e: {  	[smem:$0x3FBA] =	sst s2  }
0x8f: {  	_ = 	snop  }
0x90: {  	s2 =	sld [smem:$0x3FD0];
	(tm) =	ssettm $0x1  }
0x91: {  	s18 =	sld [smem:$0x3FFB];
	_ =	sdelay $0x3  }
0x92: {  	_ =	strace s18  }
0x93: {  	s3 =	sld [smem:$0x3FFC];
	_ =	sdelay $0x3  }
0x94: {  	_ =	strace s3  }
0x95: {  	s3 =	sld [smem:$0x3FFD];
	_ =	sdelay $0x3  }
0x96: {  	_ =	strace s3  }
0x97: {  	_ =	strace $0x8FFFFFFF  }
0x98: {  	s19 =	sld [smem:$0x3FDB];
	_ =	sdelay $0x1  }
0x99: {  	s4 =	simm.s32 $_scs_section_size  }
0x9a: {  	s5 =	simm.s32 $_size__tile_overlayer_lowered;
	s6 =	simm.s32 $_tile_overlayer_lowered  }
0x9b: {  	s22 =	simm.s32 $0x1BFF;
	s21 =	sshll.u32 s6, $0x1;
	s3 =	sadd.s32 s4, s19  }
0x9c: {  	s7 =	simm.s32 $0x0;
	s20 =	sshll.u32 s5, $0x1;
	s5 =	sadd.s32 s21, s3  }
0x9d: {  	[timem:s7], [sflag:s22] =	dma.local [hbm:s5], s20  }
0x9e: {  	_ =	swait.ge [sflag:s22], s20  }
0x9f: {  	s4 =	ssub.s32 $0x0, s20;
	[sflag:s22] =	ssyncset.done $0x0  }
0xa0: {  	[sflag:s22] =	ssyncadd.s32 s4;
	_ =	sdelay $0x1  }
0xa1: {  	s23 =	simm.s32 $0x1B8B  }
0xa2: {  	_ =	swait.ge [sflag:s23], $0x1  }
0xa3: {  	[sflag:s23] =	ssyncset.done $0x0  }
0xa4: {  	s25 =	simm.s32 $0x1B8E;
	s24 =	sld [smem:$0x3FFE];
	[sflag:s23] =	ssyncadd.s32 $0xFFFFFFFF  }
0xa5: {  	s26 =	simm.s32 $execute0_lowered;
	[smem:$0x3FD2] =	sst s25  }
0xa6: {  	s5 =	sshll.u32 s26, $0x1;
	_ =	strace $0x80000046;
	[dreg:$0x1] =	wrdreg $0xFFFFFFFF  }
0xa7: {  	s28 =	simm.s32 $_size_execute0_lowered;
	s3 =	sadd.s32 s3, s5;
	[dreg:$0x0] =	wrdreg $0x0  }
0xa8: {  	s5 =	sshll.u32 s28, $0x1;
	[dreg:$0x2] =	wrdreg s3  }
0xa9: {  	[dreg:$0x3] =	wrdreg s5  }
0xaa: {  	[dreg:$0x4] =	wrdreg $0xC0  }
0xab: {  	_ =	task [dreg:s7], $0x5FFFF  }
0xac: {  	[dreg:$0x1] =	wrdreg $0xFFFFFFFF  }
0xad: {  	[dreg:$0x0] =	wrdreg $0x60  }
0xae: {  	[dreg:$0x2] =	wrdreg s24  }
0xaf: {  	[dreg:$0x3] =	wrdreg s2  }
0xb0: {  	[dreg:$0x4] =	wrdreg $0x30800  }
0xb1: {  	[dreg:$0x5] =	wrdreg $0x9  }
0xb2: {  	_ =	task.clear_ibuf [dreg:s7], $0x6FFFF;
	_ =	strace $0x90000046  }
0xb3: {  	s29 =	simm.s32 $0x9;
	_ =	strace $0x80000048  }
0xb4: {  	_ =	swait.ge [sflag:s29], $0x1  }
0xb5: {  	[sflag:s29] =	ssyncadd.s32 $0xFFFFFFFF  }
0xb6: {  	_ =	strace $0x90000048  }
0xb7: {  	_ =	sfence  }
0xb8: {  	s30 =	sld [smem:$0x0];
	_ =	sdelay $0x2  }
0xb9: {  	s31 =	sshll.u32 s1, $0xD;
	s1 =	sshrl.u32 s1, $0x2  }
0xba: {  	s3 =	sand.u32 $0x4000, s31;
	s1 =	sadd.s32 s1, s30  }
0xbb: {  	s0 =	sor.u32 s3, s0;
	s1 =	sshll.u32 s1, $0x11  }
0xbc: {  	s0 =	sor.u32 s1, s0  }
0xbd: {  	s0 =	sadd.s32 $0x8F2B, s0  }
0xbe: {  	[sflag:s0] =	ssyncadd.remote.s32 $0x1  }
0xbf: {  	_ =	sfence.sel $0xFFFF  }
0xc0: {  	[dreg:$0x0] =	wrdreg $0xFFFFFFFF;
	(pc) =	sbr.abs _section_cstart, $3  }
0xc1: {  	[dreg:$0x1] =	wrdreg $0xFFFFFFFF  }
0xc2: {  	_ =	task.clear_ibuf [dreg:s7], $0x2FFFF;
	_ =	strace $0x9FFFFFFF  }
0xc3: {  	(tm) =	ssettm $0x7FFFFFFF  }
tec
execute0_lowered:
.L_overlay_start_1:
0x0: {  	(tag) =	ssettag $0x1  }
0x1: {  	s5 =	rddreg [dreg:$0x0]  }
0x2: {  	s2 =	rddreg [dreg:$0x1]  }
0x3: {  	s3 =	rddreg [dreg:$0x2];
	s4 =	srdreg.scid  }
0x4: {  	s1 =	stileid.u32;
	s0 =	rddreg [dreg:$0x3]  }
0x5: {  	s13 =	simm.s32 $0x680;
	s14 =	simm.s32 $0x300;
	s15 =	simm.s32 $0x380  }
0x6: {  	s16 =	simm.s32 $0x400;
	s17 =	simm.s32 $0x480;
	s28 =	smul.u32 $0x2910, s1  }
0x7: {  	s18 =	simm.s32 $0x500;
	s6 =	sand.u32 $0x1, s4;
	s7 =	sshll.u32 s1, $0x1  }
0x8: {  	s19 =	simm.s32 $0x2;
	s9 =	sor.u32 s6, s7;
	s10 =	sor.u32 $0x1, s28  }
0x9: {  	v18 =	vimm.f32 $0.0e+00;
	s20 =	simm.s32 $0x0;
	s4 =	simm.s32 $0x0;
	s8 =	smul.u32 $0x48, s9;
	v0 =	vmov s10  }
0xa: {  	v19 =	vimm.f32 $1.000000000e+00;
	[smem:$0x7FF] =	sst s4;
	s6 =	ssub.s32 $0x2, s6;
	s11 =	smul.u32 $0x2910, s9;
	v1 =	vadd.s32 $0x248, v0;
	v2 =	vadd.s32 $0x490, v0  }
0xb: {  	_ =	strace $0x80000047;
	s12 =	sshrl.u32 s6, $0x1;
	p0 =	sne.s32 s9, $0x0;
	v3 =	vadd.s32 $0x6D8, v0;
	v4 =	vadd.s32 $0x920, v0;
	v5 =	vadd.s32 $0xB68, v0  }
0xc: {  	s9 =	simm.s32 $0x700;
	s29 =	ssub.s32 s6, s12;
	s6 =	sadd.s32 s28, s3;
	v6 =	vadd.s32 $0xDB0, v0;
	v7 =	vadd.s32 $0xFF8, v0;
	v8 =	vadd.s32 $0x1240, v0  }
0xd: {  	s10 =	simm.s32 $0x1;
	s12 =	simm.s32 $0x280;
	s30 =	sadd.s32 $0x248, s11;
	v9 =	vadd.s32 $0x1488, v0;
	v10 =	vadd.s32 $0x16D0, v0;
	v11 =	vadd.s32 $0x1918, v0  }
0xe: {  	s5 =	sadd.s32 s8, s5;
	s8 =	smax.u32 s29, $0x1;
	v12 =	vadd.s32 $0x1B60, v0;
	v13 =	vadd.s32 $0x1DA8, v0;
	v14 =	vadd.s32 $0x1FF0, v0;
	s31 =	sshrl.u32 s30, $0x3  }
0xf: {  	s11 =	simm.s32 $0x60;
	v15 =	vadd.s32 $0x2238, v0;
	v16 =	vadd.s32 $0x2480, v0;
	v17 =	vadd.s32 $0x26C8, v0;
	s5 =	sadd.s32 $0x3400, s5;
	s7 =	sadd.s32 s2, s31  }
.LBB2_1:
0x10: {  	[tilespmem:s4], [sflag:$0x1] =	stream.linear.gather [hbm4b:s5+s4], $0x240, $0x38;
	[tilespmem:$0x5990] =	vst v63  }
0x11: {  	s21 =	simm.s32 $0x40;
	s22 =	simm.s32 $0x0  }
.LBB2_2:
0x12: {  	p1 =	sne.s32 s21, $0xA400;
	[tilespmem:s22+$0x700] =	vst v18;
	s22 =	smov.u32 s21;
	s21 =	sadd.s32 $0x40, s21  }
.Ltmp0:
0x13: {  	(pc) =	sbr.rel @p1 .LBB2_2-.Ltmp0, $2  }
0x14: {  	_ =	sdelay $0x2  }
0x15: {  	s22 =	sshra.s32 s22, $0x2  }
0x16: {  	[tilespmem:s22+$0x700] =	vst v18  }
0x17: {  	[tilespmem:$0x680] =	vst v19  }
0x18: {  	[tilespmem:$0x690] =	vst v19  }
0x19: {  	[tilespmem:$0x6A0] =	vst v19  }
0x1a: {  	[tilespmem:$0x6B0] =	vst v19  }
0x1b: {  	[tilespmem:$0x6C0] =	vst v19  }
0x1c: {  	[tilespmem:$0x6D0] =	vst v19  }
0x1d: {  	[spmem:s6] =	stream.linear.scatter [tilespmem:s9], [sflag:$0x1], $0x2910, $0x38;
	[tilespmem:$0x5990] =	vst v63  }
0x1e: {  	s21 =	simm.s32 @!p0 $0x0;
	s22 =	simm.s32 @!p0 $0x700  }
0x1f: {  	[hbm4b:s2+s21] =	stream.linear.scatter @!p0 [tilespmem:s22], [sflag:$0x2], $0x248, $0x38;
	[tilespmem:$0x5990] =	vst v63  }
0x20: {  	s21 =	simm.s32 @!p0 $0x2  }
0x21: {  	_ =	swait.ge @!p0 [sflag:s21], $0x248  }
0x22: {  	[sflag:s21] =	ssyncset.done @!p0 $0x0  }
0x23: {  	[sflag:s21] =	ssyncadd.s32 @!p0 $0xFFFFFDB8  }
0x24: {  	_ =	swait.ge [sflag:s10], $0x240  }
0x25: {  	[sflag:s10] =	ssyncset.done $0x0  }
0x26: {  	[sflag:s10] =	ssyncadd.s32 $0xFFFFFDC0  }
0x27: {  	v20 =	vld [tilespmem:$0x0]  }
0x28: {  	v21 =	vld [tilespmem:$0x10]  }
0x29: {  	v22 =	vld [tilespmem:$0x20]  }
0x2a: {  	v23 =	vld [tilespmem:$0x30]  }
0x2b: {  	v24 =	vld [tilespmem:$0x40]  }
0x2c: {  	v25 =	vld [tilespmem:$0x50];
	v20 =	vadd.s32 v0, v20  }
0x2d: {  	v34 =	vld [tilespmem:$0x60];
	[tilespmem:$0x280] =	vst v20;
	v20 =	vadd.s32 v0, v21  }
0x2e: {  	v35 =	vld [tilespmem:$0x70];
	[tilespmem:$0x290] =	vst v20;
	v20 =	vadd.s32 v22, v1  }
0x2f: {  	v36 =	vld [tilespmem:$0x80];
	[tilespmem:$0x2A0] =	vst v20;
	v20 =	vadd.s32 v23, v1  }
0x30: {  	v37 =	vld [tilespmem:$0x90];
	[tilespmem:$0x2B0] =	vst v20;
	v20 =	vadd.s32 v24, v2  }
0x31: {  	v38 =	vld [tilespmem:$0xA0];
	[tilespmem:$0x2C0] =	vst v20;
	v20 =	vadd.s32 v25, v2  }
0x32: {  	v39 =	vld [tilespmem:$0xB0];
	[tilespmem:$0x2D0] =	vst v20;
	v20 =	vadd.s32 v34, v3  }
0x33: {  	v40 =	vld [tilespmem:$0xC0];
	[tilespmem:$0x300] =	vst v20;
	v20 =	vadd.s32 v35, v3  }
0x34: {  	v41 =	vld [tilespmem:$0xD0];
	[tilespmem:$0x310] =	vst v20;
	v20 =	vadd.s32 v36, v4  }
0x35: {  	v42 =	vld [tilespmem:$0xE0];
	[tilespmem:$0x320] =	vst v20;
	v20 =	vadd.s32 v37, v4  }
0x36: {  	v43 =	vld [tilespmem:$0xF0];
	[tilespmem:$0x330] =	vst v20;
	v20 =	vadd.s32 v38, v5  }
0x37: {  	v44 =	vld [tilespmem:$0x100];
	[tilespmem:$0x340] =	vst v20;
	v20 =	vadd.s32 v39, v5  }
0x38: {  	v45 =	vld [tilespmem:$0x110];
	[tilespmem:$0x350] =	vst v20;
	v20 =	vadd.s32 v40, v6  }
0x39: {  	v46 =	vld [tilespmem:$0x120];
	[tilespmem:$0x380] =	vst v20;
	v20 =	vadd.s32 v41, v6  }
0x3a: {  	v47 =	vld [tilespmem:$0x130];
	[tilespmem:$0x390] =	vst v20;
	v20 =	vadd.s32 v42, v7  }
0x3b: {  	v48 =	vld [tilespmem:$0x140];
	[tilespmem:$0x3A0] =	vst v20;
	v20 =	vadd.s32 v43, v7  }
0x3c: {  	v49 =	vld [tilespmem:$0x150];
	[tilespmem:$0x3B0] =	vst v20;
	v20 =	vadd.s32 v44, v8  }
0x3d: {  	v50 =	vld [tilespmem:$0x160];
	[tilespmem:$0x3C0] =	vst v20;
	v20 =	vadd.s32 v45, v8  }
0x3e: {  	v51 =	vld [tilespmem:$0x170];
	[tilespmem:$0x3D0] =	vst v20;
	v20 =	vadd.s32 v46, v9  }
0x3f: {  	v52 =	vld [tilespmem:$0x180];
	[tilespmem:$0x400] =	vst v20;
	v20 =	vadd.s32 v47, v9  }
0x40: {  	v53 =	vld [tilespmem:$0x190];
	[tilespmem:$0x410] =	vst v20;
	v20 =	vadd.s32 v48, v10  }
0x41: {  	v54 =	vld [tilespmem:$0x1A0];
	[tilespmem:$0x420] =	vst v20;
	v20 =	vadd.s32 v49, v10  }
0x42: {  	v55 =	vld [tilespmem:$0x1B0];
	[tilespmem:$0x430] =	vst v20;
	v20 =	vadd.s32 v50, v11  }
0x43: {  	v56 =	vld [tilespmem:$0x1C0];
	[tilespmem:$0x440] =	vst v20;
	v20 =	vadd.s32 v51, v11  }
0x44: {  	v57 =	vld [tilespmem:$0x1D0];
	[tilespmem:$0x450] =	vst v20;
	v20 =	vadd.s32 v52, v12  }
0x45: {  	v58 =	vld [tilespmem:$0x1E0];
	[tilespmem:$0x480] =	vst v20;
	v20 =	vadd.s32 v53, v12  }
0x46: {  	v59 =	vld [tilespmem:$0x1F0];
	[tilespmem:$0x490] =	vst v20;
	v20 =	vadd.s32 v54, v13  }
0x47: {  	v60 =	vld [tilespmem:$0x200];
	[tilespmem:$0x4A0] =	vst v20;
	v20 =	vadd.s32 v55, v13  }
0x48: {  	v61 =	vld [tilespmem:$0x210];
	[tilespmem:$0x4B0] =	vst v20;
	v20 =	vadd.s32 v56, v14  }
0x49: {  	v62 =	vld [tilespmem:$0x220];
	[tilespmem:$0x4C0] =	vst v20;
	v20 =	vadd.s32 v57, v14  }
0x4a: {  	v63 =	vld [tilespmem:$0x230];
	[tilespmem:$0x4D0] =	vst v20;
	v20 =	vadd.s32 v58, v15  }
0x4b: {  	[tilespmem:$0x500] =	vst v20;
	v20 =	vadd.s32 v59, v15  }
0x4c: {  	[tilespmem:$0x510] =	vst v20;
	v20 =	vadd.s32 v60, v16  }
0x4d: {  	[tilespmem:$0x520] =	vst v20;
	v20 =	vadd.s32 v61, v16  }
0x4e: {  	[tilespmem:$0x530] =	vst v20;
	v20 =	vadd.s32 v62, v17  }
0x4f: {  	[tilespmem:$0x540] =	vst v20;
	v20 =	vadd.s32 v63, v17  }
0x50: {  	[tilespmem:$0x550] =	vst v20  }
0x51: {  	_ =	swait.ge [sflag:s10], $0x2910  }
0x52: {  	[sflag:s10] =	ssyncset.done $0x0  }
0x53: {  	[sflag:s10] =	ssyncadd.s32 $0xFFFFD6F0  }
0x54: {  	[spmem:s3] =	stream.indirect.scatter.add.f32 [tilespmem:s13], [sflag:$0x1], $0x1, s12, s11, $0xb8;
	[tilespmem:$0x5990] =	vst v63  }
0x55: {  	_ = 	snop  }
0x56: {  	[spmem:s3] =	stream.indirect.scatter.add.f32 [tilespmem:s13], [sflag:$0x1], $0x1, s14, s11, $0xb8;
	[tilespmem:$0x5990] =	vst v63  }
0x57: {  	_ = 	snop  }
0x58: {  	[spmem:s3] =	stream.indirect.scatter.add.f32 [tilespmem:s13], [sflag:$0x1], $0x1, s15, s11, $0xb8;
	[tilespmem:$0x5990] =	vst v63  }
0x59: {  	_ = 	snop  }
0x5a: {  	[spmem:s3] =	stream.indirect.scatter.add.f32 [tilespmem:s13], [sflag:$0x1], $0x1, s16, s11, $0xb8;
	[tilespmem:$0x5990] =	vst v63  }
0x5b: {  	_ = 	snop  }
0x5c: {  	[spmem:s3] =	stream.indirect.scatter.add.f32 [tilespmem:s13], [sflag:$0x1], $0x1, s17, s11, $0xb8;
	[tilespmem:$0x5990] =	vst v63  }
0x5d: {  	_ = 	snop  }
0x5e: {  	[spmem:s3] =	stream.indirect.scatter.add.f32 [tilespmem:s13], [sflag:$0x1], $0x1, s18, s11, $0xb8;
	[tilespmem:$0x5990] =	vst v63  }
0x5f: {  	_ =	swait.ge [sflag:s10], $0x60  }
0x60: {  	[sflag:s10] =	ssyncset.done $0x0  }
0x61: {  	[sflag:s10] =	ssyncadd.s32 $0xFFFFFFA0  }
0x62: {  	_ =	swait.ge [sflag:s10], $0x60  }
0x63: {  	[sflag:s10] =	ssyncset.done $0x0  }
0x64: {  	[sflag:s10] =	ssyncadd.s32 $0xFFFFFFA0  }
0x65: {  	_ =	swait.ge [sflag:s10], $0x60  }
0x66: {  	[sflag:s10] =	ssyncset.done $0x0  }
0x67: {  	[sflag:s10] =	ssyncadd.s32 $0xFFFFFFA0  }
0x68: {  	_ =	swait.ge [sflag:s10], $0x60  }
0x69: {  	[sflag:s10] =	ssyncset.done $0x0  }
0x6a: {  	[sflag:s10] =	ssyncadd.s32 $0xFFFFFFA0  }
0x6b: {  	_ =	swait.ge [sflag:s10], $0x60  }
0x6c: {  	[sflag:s10] =	ssyncset.done $0x0  }
0x6d: {  	[sflag:s10] =	ssyncadd.s32 $0xFFFFFFA0  }
0x6e: {  	_ =	swait.ge [sflag:s10], $0x60  }
0x6f: {  	[sflag:s10] =	ssyncset.done $0x0  }
0x70: {  	[sflag:s10] =	ssyncadd.s32 $0xFFFFFFA0  }
0x71: {  	[tilespmem:s9], [sflag:$0x2] =	stream.linear.gather [spmem:s6], $0x2910, $0x38;
	[tilespmem:$0x5990] =	vst v63  }
0x72: {  	s20 =	sadd.s32 $0x1, s20;
	_ =	swait.ge [sflag:s19], $0x2910  }
0x73: {  	p1 =	sne.s32 s20, s8;
	[sflag:s19] =	ssyncset.done $0x0  }
.Ltmp1:
0x74: {  	[sflag:s19] =	ssyncadd.s32 $0xFFFFD6F0;
	(pc) =	sbr.rel @p1 .LBB2_1-.Ltmp1, $4  }
0x75: {  	[hbm4b:s7+s4] =	stream.linear.scatter [tilespmem:s9], [sflag:$0x2], $0x2910, $0x38;
	[tilespmem:$0x5990] =	vst v63  }
0x76: {  	_ =	swait.ge [sflag:s19], $0x2910  }
0x77: {  	[sflag:s19] =	ssyncset.done $0x0  }
0x78: {  	[sflag:s19] =	ssyncadd.s32 $0xFFFFD6F0  }
0x79: {  	_ =	sfence.sel $0x180000  }
0x7a: {  	[bflag:$0x0] =	sbarrier.arrive $0xFFFF  }
0x7b: {  	p0 =	sne.s32 s1, $0x0;
	_ =	strace $0x90000047  }
0x7c: {  	s0 =	sadd.s32 @!p0 $0x100000, s0;
	[bflag:$0x2] =	sbarrier.arrive $0xFFFF  }
0x7d: {  	[sflag:s0] =	ssyncadd.tile.s32 @!p0 $0x1;
	_ =	shalt  }
.Lfunc_end2:
_tile_overlayer_lowered:
.L_overlay_start_2:
0x7e: {  	(tag) =	ssettag $0x2  }
0x7f: {  	s0 =	rddreg [dreg:$0x0];
	s2 =	stileid.u32  }
0x80: {  	s1 =	rddreg [dreg:$0x1];
	p0 =	sne.s32 s2, $0x0  }
0x81: {  	s3 =	rddreg [dreg:$0x2];
	[bflag:$0x3] =	sbarrier.arrive $0xFFFF;
	s2 =	simm.s32 @!p0 $0x1C02  }
0x82: {  	[timem:s3], [sflag:s2] =	dma.local @!p0 [hbm:s0], s1  }
0x83: {  	s0 =	simm.s32 @!p0 $0x2  }
0x84: {  	_ =	swait.ge @!p0 [sflag:s0], s1  }
0x85: {  	s1 =	ssub.s32 @!p0 $0x0, s1;
	[sflag:s0] =	ssyncset.done @!p0 $0x0  }
0x86: {  	[sflag:s0] =	ssyncadd.s32 @!p0 s1  }
0x87: {  	[bflag:$0x3] =	sbarrier.arrive $0xFFFF  }
0x88: {  	_ =	shalt  }

</sc_bundles>
